<compile_context>
chip_gen: v7x
topology: tpu7x:2x2x1
jax: 0.10.2.dev20260603
libtpu: 0.0.44.dev20260713+nightly
codegen_flags: <defaults>
</compile_context>

<pallas_src>
import functools

import jax
import jax.numpy as jnp
from jax import lax
from jax.experimental import pallas as pl
from jax.experimental.pallas import tpu as pltpu
from jax.experimental.pallas import tpu_sc as plsc

N_NODES = 10000
N_EDGES = 320000
N_PAD = 10240
E_PAD = 327680
N_EROWS = E_PAD // 128
IN_DIM = 128
HID_DIM = 128
NUM_CLASSES = 32

NC = 2
NS = 16
CHUNK = 128

_MESH = dict(core_axis_name="c", subcore_axis_name="s", num_cores=NC,
             num_subcores=NS)


def _deg_body(e2d, zvec, degs_out, degd_out, deg_sh, idx_all, ones_v, sem):
    c = lax.axis_index("c")
    s = lax.axis_index("s")
    for i in range(8):
        ones_v[pl.ds(i * 16, 16)] = jnp.ones((16,), jnp.float32)
    pltpu.sync_copy(zvec.at[pl.ds(s * 640, 640)], deg_sh.at[pl.ds(s * 640, 640)])
    rows_per_tile = N_EROWS // NS
    pltpu.sync_copy(e2d.at[pl.ds(c * N_EROWS + s * rows_per_tile,
                                 rows_per_tile)], idx_all)
    plsc.subcore_barrier()

    def outer(g, carry):
        for b in range(8):
            pltpu.async_copy(ones_v, deg_sh.at[idx_all.at[g * 8 + b]], sem,
                             add=True)
        for b in range(8):
            pltpu.make_async_copy(zvec.at[pl.ds(0, CHUNK)], ones_v, sem).wait()
        return carry

    lax.fori_loop(0, rows_per_tile // 8, outer, 0)
    plsc.subcore_barrier()

    @pl.when(c == 0)
    def _():
        pltpu.sync_copy(deg_sh.at[pl.ds(s * 640, 640)],
                        degs_out.at[pl.ds(s * 640, 640)])

    @pl.when(c == 1)
    def _():
        pltpu.sync_copy(deg_sh.at[pl.ds(s * 640, 640)],
                        degd_out.at[pl.ds(s * 640, 640)])


_deg_kernel = functools.partial(
    pl.kernel,
    out_type=[jax.ShapeDtypeStruct((N_PAD,), jnp.float32),
              jax.ShapeDtypeStruct((N_PAD,), jnp.float32)],
    mesh=plsc.VectorSubcoreMesh(**_MESH),
    scratch_types=[
        pltpu.VMEM_SHARED((N_PAD,), jnp.float32),
        pltpu.VMEM((N_EROWS // NS, CHUNK), jnp.int32),
        pltpu.VMEM((CHUNK,), jnp.float32),
        pltpu.SemaphoreType.DMA,
    ],
)(_deg_body)


def _edge_body(e2d, x, nd, zrows, zvec, aggp, cp, agg_sh, c_sh,
               isrc, idst, rows, ndv, sem_g, sem_n):
    c = lax.axis_index("c")
    s = lax.axis_index("s")
    w = c * NS + s
    rows_per_w = N_EROWS // (NC * NS)
    pltpu.sync_copy(zrows.at[pl.ds(s * 640, 640)],
                    agg_sh.at[pl.ds(s * 640, 640)])
    pltpu.sync_copy(zvec.at[pl.ds(s * 640, 640)], c_sh.at[pl.ds(s * 640, 640)])
    ph_rows = rows_per_w // 2

    for ph in range(2):
        pltpu.sync_copy(
            e2d.at[pl.ds(w * rows_per_w + ph * ph_rows, ph_rows)], isrc)
        pltpu.sync_copy(
            e2d.at[pl.ds(N_EROWS + w * rows_per_w + ph * ph_rows, ph_rows)],
            idst)
        if ph == 0:
            plsc.subcore_barrier()
        for b in range(2):
            pltpu.async_copy(x.at[isrc.at[b]], rows.at[b], sem_g)
            pltpu.async_copy(nd.at[idst.at[b]], ndv.at[b], sem_n)

        def outer(g, carry):
            for b in range(2):
                j = g * 2 + b
                pltpu.make_async_copy(x.at[pl.ds(0, CHUNK)], rows.at[b],
                                      sem_g).wait()
                pltpu.sync_copy(rows.at[b], agg_sh.at[idst.at[j]], add=True)
                pltpu.make_async_copy(nd.at[pl.ds(0, CHUNK)], ndv.at[b],
                                      sem_n).wait()
                pltpu.sync_copy(ndv.at[b], c_sh.at[isrc.at[j]], add=True)

                @pl.when(g < ph_rows // 2 - 1)
                def _():
                    pltpu.async_copy(x.at[isrc.at[j + 2]], rows.at[b], sem_g)
                    pltpu.async_copy(nd.at[idst.at[j + 2]], ndv.at[b], sem_n)
            return carry

        lax.fori_loop(0, ph_rows // 2, outer, 0)
    plsc.subcore_barrier()
    pltpu.sync_copy(agg_sh.at[pl.ds(s * 640, 640)],
                    aggp.at[c, pl.ds(s * 640, 640)])
    pltpu.sync_copy(c_sh.at[pl.ds(s * 640, 640)],
                    cp.at[c, pl.ds(s * 640, 640)])


_edge_kernel = functools.partial(
    pl.kernel,
    out_type=[jax.ShapeDtypeStruct((NC, N_PAD, HID_DIM), jnp.float32),
              jax.ShapeDtypeStruct((NC, N_PAD), jnp.float32)],
    mesh=plsc.VectorSubcoreMesh(**_MESH),
    scratch_types=[
        pltpu.VMEM_SHARED((N_PAD, HID_DIM), jnp.float32),
        pltpu.VMEM_SHARED((N_PAD,), jnp.float32),
        pltpu.VMEM((N_EROWS // (NC * NS) // 2, CHUNK), jnp.int32),
        pltpu.VMEM((N_EROWS // (NC * NS) // 2, CHUNK), jnp.int32),
        pltpu.VMEM((2, CHUNK, HID_DIM), jnp.float32),
        pltpu.VMEM((2, CHUNK), jnp.float32),
        pltpu.SemaphoreType.DMA,
        pltpu.SemaphoreType.DMA,
    ],
)(_edge_body)


def _mm_body(h_ref, w1_ref, y_ref):
    y_ref[...] = jnp.dot(h_ref[...], w1_ref[...],
                         preferred_element_type=jnp.float32)


def _norm_mm_body(y_ref, ds_ref, dd_ref, x_ref, ns_ref, nd_ref):
    ns = lax.rsqrt(jnp.maximum(ds_ref[...], 1.0))
    nd = lax.rsqrt(jnp.maximum(dd_ref[...], 1.0))
    ns_ref[...] = ns
    nd_ref[...] = nd
    x_ref[:N_NODES] = y_ref[...] * ns[:N_NODES]
    x_ref[N_NODES:] = jnp.zeros((N_PAD - N_NODES, HID_DIM), jnp.float32)


DBLK = 1024
DGRID = N_PAD // DBLK


def _finish_body(aggp_ref, cp_ref, ns_ref, nd_ref, b1_ref, w2_ref, b2_ref,
                 out_ref, acc_ref):
    i = pl.program_id(0)

    @pl.when(i == 0)
    def _():
        acc_ref[...] = jnp.zeros((1, HID_DIM), jnp.float32)

    agg = aggp_ref[0] + aggp_ref[1]
    h1 = jnp.maximum(agg * nd_ref[...] + b1_ref[...], 0.0)
    w = ns_ref[...] * (cp_ref[0] + cp_ref[1])
    row = lax.broadcasted_iota(jnp.int32, (DBLK, 1), 0) + i * DBLK
    w = jnp.where(row < N_NODES, w, 0.0)
    acc_ref[...] += jnp.sum(h1 * w, axis=0, keepdims=True)

    @pl.when(i == DGRID - 1)
    def _():
        out_ref[...] = (jnp.dot(acc_ref[...], w2_ref[...],
                                preferred_element_type=jnp.float32)
                        * (1.0 / N_NODES) + b2_ref[...])


def kernel(h, edge_index, W1, b1, W2, b2):
    src = edge_index[0].astype(jnp.int32)
    dst = edge_index[1].astype(jnp.int32)
    pad = N_NODES + (jnp.arange(E_PAD - N_EDGES, dtype=jnp.int32)
                     % (N_PAD - N_NODES))
    e2d = jnp.concatenate([src, pad, dst, pad]).reshape(2 * N_EROWS, CHUNK)
    zvec = jnp.zeros((N_PAD,), jnp.float32)
    zrows = jnp.zeros((N_PAD, HID_DIM), jnp.float32)

    y = pl.pallas_call(
        _mm_body,
        out_shape=jax.ShapeDtypeStruct((N_NODES, HID_DIM), jnp.float32),
    )(h, W1)

    deg_src, deg_dst = _deg_kernel(e2d, zvec)

    x, ns_col, nd_col = pl.pallas_call(
        _norm_mm_body,
        out_shape=[
            jax.ShapeDtypeStruct((N_PAD, HID_DIM), jnp.float32),
            jax.ShapeDtypeStruct((N_PAD, 1), jnp.float32),
            jax.ShapeDtypeStruct((N_PAD, 1), jnp.float32),
        ],
    )(y, deg_src[:, None], deg_dst[:, None])

    aggp, cp = _edge_kernel(e2d, x, nd_col.reshape(N_PAD), zrows, zvec)

    out = pl.pallas_call(
        _finish_body,
        grid=(DGRID,),
        in_specs=[
            pl.BlockSpec((NC, DBLK, HID_DIM), lambda i: (0, i, 0)),
            pl.BlockSpec((NC, DBLK, 1), lambda i: (0, i, 0)),
            pl.BlockSpec((DBLK, 1), lambda i: (i, 0)),
            pl.BlockSpec((DBLK, 1), lambda i: (i, 0)),
            pl.BlockSpec((1, HID_DIM), lambda i: (0, 0)),
            pl.BlockSpec((HID_DIM, NUM_CLASSES), lambda i: (0, 0)),
            pl.BlockSpec((1, NUM_CLASSES), lambda i: (0, 0)),
        ],
        out_specs=pl.BlockSpec((1, NUM_CLASSES), lambda i: (0, 0)),
        out_shape=jax.ShapeDtypeStruct((1, NUM_CLASSES), jnp.float32),
        scratch_shapes=[pltpu.VMEM((1, HID_DIM), jnp.float32)],
    )(aggp, cp[:, :, None], ns_col, nd_col, b1[None, :], W2, b2[None, :])
    return out

# --- scband reference (transcript-rebuilt; emitter-appended) ---
"""Pipeline reference for scband-gcnmodel-39986145525986 (READ-ONLY COPY).

The authoritative reference and input builder live on the scoring server;
editing this copy changes nothing except your own understanding.
"""

import jax, jax.numpy as jnp
import numpy as np

N_NODES = 10000
N_EDGES = 320000
IN_DIM = 128
HID_DIM = 128
NUM_CLASSES = 32


def setup_inputs(seed: int = 0) -> dict:
    key = jax.random.key(seed)
    k1, k2, k3, k4, k5, k6 = jax.random.split(key, 6)
    h = jax.random.normal(k1, (N_NODES, IN_DIM), dtype=jnp.float32)
    edge_index = jax.random.randint(k2, (2, N_EDGES), 0, N_NODES, dtype=jnp.int64)
    # Glorot-initialized weights like dgl.nn.GraphConv
    W1 = jax.random.normal(k3, (IN_DIM, HID_DIM), dtype=jnp.float32) * (2.0 / (IN_DIM + HID_DIM)) ** 0.5
    b1 = jnp.zeros((HID_DIM,), dtype=jnp.float32)
    W2 = jax.random.normal(k4, (HID_DIM, NUM_CLASSES), dtype=jnp.float32) * (2.0 / (HID_DIM + NUM_CLASSES)) ** 0.5
    b2 = jnp.zeros((NUM_CLASSES,), dtype=jnp.float32)
    return {"h": h, "edge_index": edge_index, "W1": W1, "b1": b1, "W2": W2, "b2": b2}


def _gcn_conv(x, src, dst, W, b, n_nodes):
    # DGL GraphConv with norm='both': D_out^{-1/2} on src, D_in^{-1/2} on dst, degrees clamped to min 1
    ones = jnp.ones((src.shape[0],), dtype=jnp.float32)
    deg_out = jax.ops.segment_sum(ones, src, num_segments=n_nodes)
    deg_in = jax.ops.segment_sum(ones, dst, num_segments=n_nodes)
    norm_src = jax.lax.rsqrt(jnp.clip(deg_out, 1.0, None))
    norm_dst = jax.lax.rsqrt(jnp.clip(deg_in, 1.0, None))
    x = x * norm_src[:, None]
    x = x @ W  # mult W first (in_feats >= out_feats path); math identical either way
    msgs = jnp.take(x, src, axis=0)
    agg = jax.ops.segment_sum(msgs, dst, num_segments=n_nodes)
    agg = agg * norm_dst[:, None]
    return agg + b


def reference(h, edge_index, W1, b1, W2, b2):
    src = edge_index[0]
    dst = edge_index[1]
    h1 = _gcn_conv(h, src, dst, W1, b1, N_NODES)
    h1 = jax.nn.relu(h1)
    h2 = _gcn_conv(h1, src, dst, W2, b2, N_NODES)
    # dgl.mean_nodes over a single graph -> [1, num_classes]
    hg = jnp.mean(h2, axis=0, keepdims=True)
    return hg

if __name__ == "__main__":
    import jax
    _d = setup_inputs()
    print(jax.jit(kernel)(*tuple(_d.values())))

</pallas_src>

<mosaic_0001>
#map = affine_map<(d0, d1) -> (0, 0)>
#map1 = affine_map<(d0, d1) -> (0)>
module attributes {stable_mosaic.version = 14 : i64} {
  func.func @_deg_body(%arg0: i32, %arg1: i32, %arg2: memref<5120x128xi32, #tpu.memory_space<hbm>>, %arg3: memref<10240xf32, #tpu.memory_space<hbm>>, %arg4: memref<10240xf32, #tpu.memory_space<hbm>>, %arg5: memref<10240xf32, #tpu.memory_space<hbm>>, %arg6: memref<10240xf32, #tpu.memory_space<vmem_shared>>, %arg7: memref<160x128xi32, #tpu.memory_space<vmem>>, %arg8: memref<128xf32, #tpu.memory_space<vmem>>, %arg9: memref<!tpu.dma_semaphore, #tpu.memory_space<semaphore_mem>>) attributes {dimension_semantics = [#tpu.dimension_semantics<core_parallel>, #tpu.dimension_semantics<subcore_parallel>], iteration_bounds = array<i64: 2, 16>, scalar_prefetch = 0 : i64, scratch_operands = 4 : i64, tpu.core_type = #tpu.core_type<sc_vector_subcore>, window_params = [{transform_indices = #map}, {transform_indices = #map1}, {transform_indices = #map1}, {transform_indices = #map1}]} {
    %broadcast_in_dim3A = arith.constant 1.000000e+00 : f32
    %broadcast_in_dim3A_0 = vector.broadcast %broadcast_in_dim3A : f32 to vector<16xf32>
    %swap3A = arith.constant 0 : index
    %swap3A_1 = tpu.vector_load %arg8[%swap3A] {strides = array<i32>} : memref<128xf32, #tpu.memory_space<vmem>>, vector<16xf32>,
    %swap3A_2 = vector.shape_cast %swap3A_1 : vector<16xf32> to vector<16xf32>
    %swap3A_3 = vector.shape_cast %broadcast_in_dim3A_0 : vector<16xf32> to vector<16xf32>
    tpu.vector_store %arg8[%swap3A], %swap3A_3 {strides = array<i32>} : memref<128xf32, #tpu.memory_space<vmem>>, vector<16xf32>,
    %broadcast_in_dim3A_4 = arith.constant 1.000000e+00 : f32
    %broadcast_in_dim3A_5 = vector.broadcast %broadcast_in_dim3A_4 : f32 to vector<16xf32>
    %swap3A_6 = arith.constant 16 : index
    %swap3A_7 = tpu.vector_load %arg8[%swap3A_6] {strides = array<i32>} : memref<128xf32, #tpu.memory_space<vmem>>, vector<16xf32>,
    %swap3A_8 = vector.shape_cast %swap3A_7 : vector<16xf32> to vector<16xf32>
    %swap3A_9 = vector.shape_cast %broadcast_in_dim3A_5 : vector<16xf32> to vector<16xf32>
    tpu.vector_store %arg8[%swap3A_6], %swap3A_9 {strides = array<i32>} : memref<128xf32, #tpu.memory_space<vmem>>, vector<16xf32>,
    %broadcast_in_dim3A_10 = arith.constant 1.000000e+00 : f32
    %broadcast_in_dim3A_11 = vector.broadcast %broadcast_in_dim3A_10 : f32 to vector<16xf32>
    %swap3A_12 = arith.constant 32 : index
    %swap3A_13 = tpu.vector_load %arg8[%swap3A_12] {strides = array<i32>} : memref<128xf32, #tpu.memory_space<vmem>>, vector<16xf32>,
    %swap3A_14 = vector.shape_cast %swap3A_13 : vector<16xf32> to vector<16xf32>
    %swap3A_15 = vector.shape_cast %broadcast_in_dim3A_11 : vector<16xf32> to vector<16xf32>
    tpu.vector_store %arg8[%swap3A_12], %swap3A_15 {strides = array<i32>} : memref<128xf32, #tpu.memory_space<vmem>>, vector<16xf32>,
    %broadcast_in_dim3A_16 = arith.constant 1.000000e+00 : f32
    %broadcast_in_dim3A_17 = vector.broadcast %broadcast_in_dim3A_16 : f32 to vector<16xf32>
    %swap3A_18 = arith.constant 48 : index
    %swap3A_19 = tpu.vector_load %arg8[%swap3A_18] {strides = array<i32>} : memref<128xf32, #tpu.memory_space<vmem>>, vector<16xf32>,
    %swap3A_20 = vector.shape_cast %swap3A_19 : vector<16xf32> to vector<16xf32>
    %swap3A_21 = vector.shape_cast %broadcast_in_dim3A_17 : vector<16xf32> to vector<16xf32>
    tpu.vector_store %arg8[%swap3A_18], %swap3A_21 {strides = array<i32>} : memref<128xf32, #tpu.memory_space<vmem>>, vector<16xf32>,
    %broadcast_in_dim3A_22 = arith.constant 1.000000e+00 : f32
    %broadcast_in_dim3A_23 = vector.broadcast %broadcast_in_dim3A_22 : f32 to vector<16xf32>
    %swap3A_24 = arith.constant 64 : index
    %swap3A_25 = tpu.vector_load %arg8[%swap3A_24] {strides = array<i32>} : memref<128xf32, #tpu.memory_space<vmem>>, vector<16xf32>,
    %swap3A_26 = vector.shape_cast %swap3A_25 : vector<16xf32> to vector<16xf32>
    %swap3A_27 = vector.shape_cast %broadcast_in_dim3A_23 : vector<16xf32> to vector<16xf32>
    tpu.vector_store %arg8[%swap3A_24], %swap3A_27 {strides = array<i32>} : memref<128xf32, #tpu.memory_space<vmem>>, vector<16xf32>,
    %broadcast_in_dim3A_28 = arith.constant 1.000000e+00 : f32
    %broadcast_in_dim3A_29 = vector.broadcast %broadcast_in_dim3A_28 : f32 to vector<16xf32>
    %swap3A_30 = arith.constant 80 : index
    %swap3A_31 = tpu.vector_load %arg8[%swap3A_30] {strides = array<i32>} : memref<128xf32, #tpu.memory_space<vmem>>, vector<16xf32>,
    %swap3A_32 = vector.shape_cast %swap3A_31 : vector<16xf32> to vector<16xf32>
    %swap3A_33 = vector.shape_cast %broadcast_in_dim3A_29 : vector<16xf32> to vector<16xf32>
    tpu.vector_store %arg8[%swap3A_30], %swap3A_33 {strides = array<i32>} : memref<128xf32, #tpu.memory_space<vmem>>, vector<16xf32>,
    %broadcast_in_dim3A_34 = arith.constant 1.000000e+00 : f32
    %broadcast_in_dim3A_35 = vector.broadcast %broadcast_in_dim3A_34 : f32 to vector<16xf32>
    %swap3A_36 = arith.constant 96 : index
    %swap3A_37 = tpu.vector_load %arg8[%swap3A_36] {strides = array<i32>} : memref<128xf32, #tpu.memory_space<vmem>>, vector<16xf32>,
    %swap3A_38 = vector.shape_cast %swap3A_37 : vector<16xf32> to vector<16xf32>
    %swap3A_39 = vector.shape_cast %broadcast_in_dim3A_35 : vector<16xf32> to vector<16xf32>
    tpu.vector_store %arg8[%swap3A_36], %swap3A_39 {strides = array<i32>} : memref<128xf32, #tpu.memory_space<vmem>>, vector<16xf32>,
    %broadcast_in_dim3A_40 = arith.constant 1.000000e+00 : f32
    %broadcast_in_dim3A_41 = vector.broadcast %broadcast_in_dim3A_40 : f32 to vector<16xf32>
    %swap3A_42 = arith.constant 112 : index
    %swap3A_43 = tpu.vector_load %arg8[%swap3A_42] {strides = array<i32>} : memref<128xf32, #tpu.memory_space<vmem>>, vector<16xf32>,
    %swap3A_44 = vector.shape_cast %swap3A_43 : vector<16xf32> to vector<16xf32>
    %swap3A_45 = vector.shape_cast %broadcast_in_dim3A_41 : vector<16xf32> to vector<16xf32>
    tpu.vector_store %arg8[%swap3A_42], %swap3A_45 {strides = array<i32>} : memref<128xf32, #tpu.memory_space<vmem>>, vector<16xf32>,
    %mul3A = arith.constant 640 : i32
    %mul3A_46 = arith.muli %arg1, %mul3A : i32
    %mul3A_47 = arith.constant 640 : i32
    %mul3A_48 = arith.muli %arg1, %mul3A_47 : i32
    "tpu.region"() ({
      %run_scoped3A = tpu.sem_alloc : memref<!tpu.dma_semaphore, #tpu.memory_space<semaphore_mem>>
      %dma_start3A = tpu.memref_slice %arg6[%mul3A_48] : memref<10240xf32, #tpu.memory_space<vmem_shared>> -> memref<640xf32, #tpu.memory_space<vmem_shared>>
      %dma_start3A_66 = tpu.memref_slice %arg3[%mul3A_46] : memref<10240xf32, #tpu.memory_space<hbm>> -> memref<640xf32, #tpu.memory_space<hbm>>
      tpu.enqueue_dma source(%dma_start3A_66 : memref<640xf32, #tpu.memory_space<hbm>>) target(%dma_start3A : memref<640xf32, #tpu.memory_space<vmem_shared>>) target_semaphore(%run_scoped3A : memref<!tpu.dma_semaphore, #tpu.memory_space<semaphore_mem>>)
      %dma_wait3A = tpu.memref_slice %arg6[%mul3A_48] : memref<10240xf32, #tpu.memory_space<vmem_shared>> -> memref<640xf32, #tpu.memory_space<vmem_shared>>
      %dma_wait3A_67 = tpu.memref_slice %arg3[%mul3A_46] : memref<10240xf32, #tpu.memory_space<hbm>> -> memref<640xf32, #tpu.memory_space<hbm>>
      tpu.wait_dma2 semaphore(%run_scoped3A : memref<!tpu.dma_semaphore, #tpu.memory_space<semaphore_mem>>) src(%dma_wait3A_67 : memref<640xf32, #tpu.memory_space<hbm>>) dst(%dma_wait3A : memref<640xf32, #tpu.memory_space<vmem_shared>>)
      tpu.yield
    }) : () -> ()
    %mul3A_49 = arith.constant 2560 : i32
    %mul3A_50 = arith.muli %arg0, %mul3A_49 : i32
    %mul3A_51 = arith.constant 160 : i32
    %mul3A_52 = arith.muli %arg1, %mul3A_51 : i32
    %add3A = arith.addi %mul3A_50, %mul3A_52 : i32
    "tpu.region"() ({
      %run_scoped3A = tpu.sem_alloc : memref<!tpu.dma_semaphore, #tpu.memory_space<semaphore_mem>>
      %dma_start3A = arith.constant 0 : i32
      %dma_start3A_66 = tpu.memref_slice %arg2[%add3A, %dma_start3A] : memref<5120x128xi32, #tpu.memory_space<hbm>> -> memref<160x128xi32, #tpu.memory_space<hbm>>
      %dma_start3A_67 = arith.constant 0 : i32
      %dma_start3A_68 = tpu.memref_slice %arg2[%add3A, %dma_start3A_67] : memref<5120x128xi32, #tpu.memory_space<hbm>> -> memref<160x128xi32, #tpu.memory_space<hbm>>
      tpu.enqueue_dma source(%dma_start3A_68 : memref<160x128xi32, #tpu.memory_space<hbm>>) target(%arg7 : memref<160x128xi32, #tpu.memory_space<vmem>>) target_semaphore(%run_scoped3A : memref<!tpu.dma_semaphore, #tpu.memory_space<semaphore_mem>>)
      %dma_wait3A = arith.constant 0 : i32
      %dma_wait3A_69 = tpu.memref_slice %arg2[%add3A, %dma_wait3A] : memref<5120x128xi32, #tpu.memory_space<hbm>> -> memref<160x128xi32, #tpu.memory_space<hbm>>
      %dma_wait3A_70 = arith.constant 0 : i32
      %dma_wait3A_71 = tpu.memref_slice %arg2[%add3A, %dma_wait3A_70] : memref<5120x128xi32, #tpu.memory_space<hbm>> -> memref<160x128xi32, #tpu.memory_space<hbm>>
      tpu.wait_dma2 semaphore(%run_scoped3A : memref<!tpu.dma_semaphore, #tpu.memory_space<semaphore_mem>>) src(%dma_wait3A_71 : memref<160x128xi32, #tpu.memory_space<hbm>>) dst(%arg7 : memref<160x128xi32, #tpu.memory_space<vmem>>)
      tpu.yield
    }) : () -> ()
    %barrier3A = arith.constant 0 : index
    tpu.barrier barrier_id(%barrier3A)
    %scan3A = arith.constant 0 : i32
    %scan3A_53 = arith.constant 0 : i32
    %scan3A_54 = arith.constant 20 : i32
    %scan3A_55 = arith.addi %scan3A_53, %scan3A_54 : i32
    %scan3A_56 = arith.constant 1 : i32
    scf.for %scan3A_66 = %scan3A_53 to %scan3A_55 step %scan3A_56  : i32 {
      %mul3A_67 = arith.constant 8 : i32
      %mul3A_68 = arith.muli %scan3A_66, %mul3A_67 : i32
      %add3A_69 = arith.constant 0 : i32
      %add3A_70 = arith.addi %mul3A_68, %add3A_69 : i32
      %dma_start3A = arith.constant 0 : i32
      %dma_start3A_71 = tpu.memref_slice %arg7[%add3A_70, %dma_start3A] : memref<160x128xi32, #tpu.memory_space<vmem>> -> memref<1x128xi32, #tpu.memory_space<vmem>>
      %dma_start3A_72 = tpu.memref_squeeze %dma_start3A_71 : memref<1x128xi32, #tpu.memory_space<vmem>> -> memref<128xi32, #tpu.memory_space<vmem>>
      %dma_start3A_73 = arith.constant 0 : i32
      %dma_start3A_74 = tpu.memref_slice %arg6[%dma_start3A_73] : memref<10240xf32, #tpu.memory_space<vmem_shared>> -> memref<10240xf32, #tpu.memory_space<vmem_shared>>
      tpu.enqueue_indirect_dma source(%arg8 : memref<128xf32, #tpu.memory_space<vmem>>) target(%dma_start3A_74 : memref<10240xf32, #tpu.memory_space<vmem_shared>>) offsets(%dma_start3A_72 : memref<128xi32, #tpu.memory_space<vmem>>) semaphore(%arg9 : memref<!tpu.dma_semaphore, #tpu.memory_space<semaphore_mem>>) {add = true}
      %mul3A_75 = arith.constant 8 : i32
      %mul3A_76 = arith.muli %scan3A_66, %mul3A_75 : i32
      %add3A_77 = arith.constant 1 : i32
      %add3A_78 = arith.addi %mul3A_76, %add3A_77 : i32
      %dma_start3A_79 = arith.constant 0 : i32
      %dma_start3A_80 = tpu.memref_slice %arg7[%add3A_78, %dma_start3A_79] : memref<160x128xi32, #tpu.memory_space<vmem>> -> memref<1x128xi32, #tpu.memory_space<vmem>>
      %dma_start3A_81 = tpu.memref_squeeze %dma_start3A_80 : memref<1x128xi32, #tpu.memory_space<vmem>> -> memref<128xi32, #tpu.memory_space<vmem>>
      %dma_start3A_82 = arith.constant 0 : i32
      %dma_start3A_83 = tpu.memref_slice %arg6[%dma_start3A_82] : memref<10240xf32, #tpu.memory_space<vmem_shared>> -> memref<10240xf32, #tpu.memory_space<vmem_shared>>
      tpu.enqueue_indirect_dma source(%arg8 : memref<128xf32, #tpu.memory_space<vmem>>) target(%dma_start3A_83 : memref<10240xf32, #tpu.memory_space<vmem_shared>>) offsets(%dma_start3A_81 : memref<128xi32, #tpu.memory_space<vmem>>) semaphore(%arg9 : memref<!tpu.dma_semaphore, #tpu.memory_space<semaphore_mem>>) {add = true}
      %mul3A_84 = arith.constant 8 : i32
      %mul3A_85 = arith.muli %scan3A_66, %mul3A_84 : i32
      %add3A_86 = arith.constant 2 : i32
      %add3A_87 = arith.addi %mul3A_85, %add3A_86 : i32
      %dma_start3A_88 = arith.constant 0 : i32
      %dma_start3A_89 = tpu.memref_slice %arg7[%add3A_87, %dma_start3A_88] : memref<160x128xi32, #tpu.memory_space<vmem>> -> memref<1x128xi32, #tpu.memory_space<vmem>>
      %dma_start3A_90 = tpu.memref_squeeze %dma_start3A_89 : memref<1x128xi32, #tpu.memory_space<vmem>> -> memref<128xi32, #tpu.memory_space<vmem>>
      %dma_start3A_91 = arith.constant 0 : i32
      %dma_start3A_92 = tpu.memref_slice %arg6[%dma_start3A_91] : memref<10240xf32, #tpu.memory_space<vmem_shared>> -> memref<10240xf32, #tpu.memory_space<vmem_shared>>
      tpu.enqueue_indirect_dma source(%arg8 : memref<128xf32, #tpu.memory_space<vmem>>) target(%dma_start3A_92 : memref<10240xf32, #tpu.memory_space<vmem_shared>>) offsets(%dma_start3A_90 : memref<128xi32, #tpu.memory_space<vmem>>) semaphore(%arg9 : memref<!tpu.dma_semaphore, #tpu.memory_space<semaphore_mem>>) {add = true}
      %mul3A_93 = arith.constant 8 : i32
      %mul3A_94 = arith.muli %scan3A_66, %mul3A_93 : i32
      %add3A_95 = arith.constant 3 : i32
      %add3A_96 = arith.addi %mul3A_94, %add3A_95 : i32
      %dma_start3A_97 = arith.constant 0 : i32
      %dma_start3A_98 = tpu.memref_slice %arg7[%add3A_96, %dma_start3A_97] : memref<160x128xi32, #tpu.memory_space<vmem>> -> memref<1x128xi32, #tpu.memory_space<vmem>>
      %dma_start3A_99 = tpu.memref_squeeze %dma_start3A_98 : memref<1x128xi32, #tpu.memory_space<vmem>> -> memref<128xi32, #tpu.memory_space<vmem>>
      %dma_start3A_100 = arith.constant 0 : i32
      %dma_start3A_101 = tpu.memref_slice %arg6[%dma_start3A_100] : memref<10240xf32, #tpu.memory_space<vmem_shared>> -> memref<10240xf32, #tpu.memory_space<vmem_shared>>
      tpu.enqueue_indirect_dma source(%arg8 : memref<128xf32, #tpu.memory_space<vmem>>) target(%dma_start3A_101 : memref<10240xf32, #tpu.memory_space<vmem_shared>>) offsets(%dma_start3A_99 : memref<128xi32, #tpu.memory_space<vmem>>) semaphore(%arg9 : memref<!tpu.dma_semaphore, #tpu.memory_space<semaphore_mem>>) {add = true}
      %mul3A_102 = arith.constant 8 : i32
      %mul3A_103 = arith.muli %scan3A_66, %mul3A_102 : i32
      %add3A_104 = arith.constant 4 : i32
      %add3A_105 = arith.addi %mul3A_103, %add3A_104 : i32
      %dma_start3A_106 = arith.constant 0 : i32
      %dma_start3A_107 = tpu.memref_slice %arg7[%add3A_105, %dma_start3A_106] : memref<160x128xi32, #tpu.memory_space<vmem>> -> memref<1x128xi32, #tpu.memory_space<vmem>>
      %dma_start3A_108 = tpu.memref_squeeze %dma_start3A_107 : memref<1x128xi32, #tpu.memory_space<vmem>> -> memref<128xi32, #tpu.memory_space<vmem>>
      %dma_start3A_109 = arith.constant 0 : i32
      %dma_start3A_110 = tpu.memref_slice %arg6[%dma_start3A_109] : memref<10240xf32, #tpu.memory_space<vmem_shared>> -> memref<10240xf32, #tpu.memory_space<vmem_shared>>
      tpu.enqueue_indirect_dma source(%arg8 : memref<128xf32, #tpu.memory_space<vmem>>) target(%dma_start3A_110 : memref<10240xf32, #tpu.memory_space<vmem_shared>>) offsets(%dma_start3A_108 : memref<128xi32, #tpu.memory_space<vmem>>) semaphore(%arg9 : memref<!tpu.dma_semaphore, #tpu.memory_space<semaphore_mem>>) {add = true}
      %mul3A_111 = arith.constant 8 : i32
      %mul3A_112 = arith.muli %scan3A_66, %mul3A_111 : i32
      %add3A_113 = arith.constant 5 : i32
      %add3A_114 = arith.addi %mul3A_112, %add3A_113 : i32
      %dma_start3A_115 = arith.constant 0 : i32
      %dma_start3A_116 = tpu.memref_slice %arg7[%add3A_114, %dma_start3A_115] : memref<160x128xi32, #tpu.memory_space<vmem>> -> memref<1x128xi32, #tpu.memory_space<vmem>>
      %dma_start3A_117 = tpu.memref_squeeze %dma_start3A_116 : memref<1x128xi32, #tpu.memory_space<vmem>> -> memref<128xi32, #tpu.memory_space<vmem>>
      %dma_start3A_118 = arith.constant 0 : i32
      %dma_start3A_119 = tpu.memref_slice %arg6[%dma_start3A_118] : memref<10240xf32, #tpu.memory_space<vmem_shared>> -> memref<10240xf32, #tpu.memory_space<vmem_shared>>
      tpu.enqueue_indirect_dma source(%arg8 : memref<128xf32, #tpu.memory_space<vmem>>) target(%dma_start3A_119 : memref<10240xf32, #tpu.memory_space<vmem_shared>>) offsets(%dma_start3A_117 : memref<128xi32, #tpu.memory_space<vmem>>) semaphore(%arg9 : memref<!tpu.dma_semaphore, #tpu.memory_space<semaphore_mem>>) {add = true}
      %mul3A_120 = arith.constant 8 : i32
      %mul3A_121 = arith.muli %scan3A_66, %mul3A_120 : i32
      %add3A_122 = arith.constant 6 : i32
      %add3A_123 = arith.addi %mul3A_121, %add3A_122 : i32
      %dma_start3A_124 = arith.constant 0 : i32
      %dma_start3A_125 = tpu.memref_slice %arg7[%add3A_123, %dma_start3A_124] : memref<160x128xi32, #tpu.memory_space<vmem>> -> memref<1x128xi32, #tpu.memory_space<vmem>>
      %dma_start3A_126 = tpu.memref_squeeze %dma_start3A_125 : memref<1x128xi32, #tpu.memory_space<vmem>> -> memref<128xi32, #tpu.memory_space<vmem>>
      %dma_start3A_127 = arith.constant 0 : i32
      %dma_start3A_128 = tpu.memref_slice %arg6[%dma_start3A_127] : memref<10240xf32, #tpu.memory_space<vmem_shared>> -> memref<10240xf32, #tpu.memory_space<vmem_shared>>
      tpu.enqueue_indirect_dma source(%arg8 : memref<128xf32, #tpu.memory_space<vmem>>) target(%dma_start3A_128 : memref<10240xf32, #tpu.memory_space<vmem_shared>>) offsets(%dma_start3A_126 : memref<128xi32, #tpu.memory_space<vmem>>) semaphore(%arg9 : memref<!tpu.dma_semaphore, #tpu.memory_space<semaphore_mem>>) {add = true}
      %mul3A_129 = arith.constant 8 : i32
      %mul3A_130 = arith.muli %scan3A_66, %mul3A_129 : i32
      %add3A_131 = arith.constant 7 : i32
      %add3A_132 = arith.addi %mul3A_130, %add3A_131 : i32
      %dma_start3A_133 = arith.constant 0 : i32
      %dma_start3A_134 = tpu.memref_slice %arg7[%add3A_132, %dma_start3A_133] : memref<160x128xi32, #tpu.memory_space<vmem>> -> memref<1x128xi32, #tpu.memory_space<vmem>>
      %dma_start3A_135 = tpu.memref_squeeze %dma_start3A_134 : memref<1x128xi32, #tpu.memory_space<vmem>> -> memref<128xi32, #tpu.memory_space<vmem>>
      %dma_start3A_136 = arith.constant 0 : i32
      %dma_start3A_137 = tpu.memref_slice %arg6[%dma_start3A_136] : memref<10240xf32, #tpu.memory_space<vmem_shared>> -> memref<10240xf32, #tpu.memory_space<vmem_shared>>
      tpu.enqueue_indirect_dma source(%arg8 : memref<128xf32, #tpu.memory_space<vmem>>) target(%dma_start3A_137 : memref<10240xf32, #tpu.memory_space<vmem_shared>>) offsets(%dma_start3A_135 : memref<128xi32, #tpu.memory_space<vmem>>) semaphore(%arg9 : memref<!tpu.dma_semaphore, #tpu.memory_space<semaphore_mem>>) {add = true}
      %dma_wait3A = arith.constant 0 : i32
      %dma_wait3A_138 = tpu.memref_slice %arg3[%dma_wait3A] : memref<10240xf32, #tpu.memory_space<hbm>> -> memref<128xf32, #tpu.memory_space<hbm>>
      %dma_wait3A_139 = arith.constant 0 : i32
      %dma_wait3A_140 = tpu.memref_slice %arg3[%dma_wait3A_139] : memref<10240xf32, #tpu.memory_space<hbm>> -> memref<128xf32, #tpu.memory_space<hbm>>
      tpu.wait_dma2 semaphore(%arg9 : memref<!tpu.dma_semaphore, #tpu.memory_space<semaphore_mem>>) src(%dma_wait3A_140 : memref<128xf32, #tpu.memory_space<hbm>>) dst(%arg8 : memref<128xf32, #tpu.memory_space<vmem>>)
      %dma_wait3A_141 = arith.constant 0 : i32
      %dma_wait3A_142 = tpu.memref_slice %arg3[%dma_wait3A_141] : memref<10240xf32, #tpu.memory_space<hbm>> -> memref<128xf32, #tpu.memory_space<hbm>>
      %dma_wait3A_143 = arith.constant 0 : i32
      %dma_wait3A_144 = tpu.memref_slice %arg3[%dma_wait3A_143] : memref<10240xf32, #tpu.memory_space<hbm>> -> memref<128xf32, #tpu.memory_space<hbm>>
      tpu.wait_dma2 semaphore(%arg9 : memref<!tpu.dma_semaphore, #tpu.memory_space<semaphore_mem>>) src(%dma_wait3A_144 : memref<128xf32, #tpu.memory_space<hbm>>) dst(%arg8 : memref<128xf32, #tpu.memory_space<vmem>>)
      %dma_wait3A_145 = arith.constant 0 : i32
      %dma_wait3A_146 = tpu.memref_slice %arg3[%dma_wait3A_145] : memref<10240xf32, #tpu.memory_space<hbm>> -> memref<128xf32, #tpu.memory_space<hbm>>
      %dma_wait3A_147 = arith.constant 0 : i32
      %dma_wait3A_148 = tpu.memref_slice %arg3[%dma_wait3A_147] : memref<10240xf32, #tpu.memory_space<hbm>> -> memref<128xf32, #tpu.memory_space<hbm>>
      tpu.wait_dma2 semaphore(%arg9 : memref<!tpu.dma_semaphore, #tpu.memory_space<semaphore_mem>>) src(%dma_wait3A_148 : memref<128xf32, #tpu.memory_space<hbm>>) dst(%arg8 : memref<128xf32, #tpu.memory_space<vmem>>)
      %dma_wait3A_149 = arith.constant 0 : i32
      %dma_wait3A_150 = tpu.memref_slice %arg3[%dma_wait3A_149] : memref<10240xf32, #tpu.memory_space<hbm>> -> memref<128xf32, #tpu.memory_space<hbm>>
      %dma_wait3A_151 = arith.constant 0 : i32
      %dma_wait3A_152 = tpu.memref_slice %arg3[%dma_wait3A_151] : memref<10240xf32, #tpu.memory_space<hbm>> -> memref<128xf32, #tpu.memory_space<hbm>>
      tpu.wait_dma2 semaphore(%arg9 : memref<!tpu.dma_semaphore, #tpu.memory_space<semaphore_mem>>) src(%dma_wait3A_152 : memref<128xf32, #tpu.memory_space<hbm>>) dst(%arg8 : memref<128xf32, #tpu.memory_space<vmem>>)
      %dma_wait3A_153 = arith.constant 0 : i32
      %dma_wait3A_154 = tpu.memref_slice %arg3[%dma_wait3A_153] : memref<10240xf32, #tpu.memory_space<hbm>> -> memref<128xf32, #tpu.memory_space<hbm>>
      %dma_wait3A_155 = arith.constant 0 : i32
      %dma_wait3A_156 = tpu.memref_slice %arg3[%dma_wait3A_155] : memref<10240xf32, #tpu.memory_space<hbm>> -> memref<128xf32, #tpu.memory_space<hbm>>
      tpu.wait_dma2 semaphore(%arg9 : memref<!tpu.dma_semaphore, #tpu.memory_space<semaphore_mem>>) src(%dma_wait3A_156 : memref<128xf32, #tpu.memory_space<hbm>>) dst(%arg8 : memref<128xf32, #tpu.memory_space<vmem>>)
      %dma_wait3A_157 = arith.constant 0 : i32
      %dma_wait3A_158 = tpu.memref_slice %arg3[%dma_wait3A_157] : memref<10240xf32, #tpu.memory_space<hbm>> -> memref<128xf32, #tpu.memory_space<hbm>>
      %dma_wait3A_159 = arith.constant 0 : i32
      %dma_wait3A_160 = tpu.memref_slice %arg3[%dma_wait3A_159] : memref<10240xf32, #tpu.memory_space<hbm>> -> memref<128xf32, #tpu.memory_space<hbm>>
      tpu.wait_dma2 semaphore(%arg9 : memref<!tpu.dma_semaphore, #tpu.memory_space<semaphore_mem>>) src(%dma_wait3A_160 : memref<128xf32, #tpu.memory_space<hbm>>) dst(%arg8 : memref<128xf32, #tpu.memory_space<vmem>>)
      %dma_wait3A_161 = arith.constant 0 : i32
      %dma_wait3A_162 = tpu.memref_slice %arg3[%dma_wait3A_161] : memref<10240xf32, #tpu.memory_space<hbm>> -> memref<128xf32, #tpu.memory_space<hbm>>
      %dma_wait3A_163 = arith.constant 0 : i32
      %dma_wait3A_164 = tpu.memref_slice %arg3[%dma_wait3A_163] : memref<10240xf32, #tpu.memory_space<hbm>> -> memref<128xf32, #tpu.memory_space<hbm>>
      tpu.wait_dma2 semaphore(%arg9 : memref<!tpu.dma_semaphore, #tpu.memory_space<semaphore_mem>>) src(%dma_wait3A_164 : memref<128xf32, #tpu.memory_space<hbm>>) dst(%arg8 : memref<128xf32, #tpu.memory_space<vmem>>)
      %dma_wait3A_165 = arith.constant 0 : i32
      %dma_wait3A_166 = tpu.memref_slice %arg3[%dma_wait3A_165] : memref<10240xf32, #tpu.memory_space<hbm>> -> memref<128xf32, #tpu.memory_space<hbm>>
      %dma_wait3A_167 = arith.constant 0 : i32
      %dma_wait3A_168 = tpu.memref_slice %arg3[%dma_wait3A_167] : memref<10240xf32, #tpu.memory_space<hbm>> -> memref<128xf32, #tpu.memory_space<hbm>>
      tpu.wait_dma2 semaphore(%arg9 : memref<!tpu.dma_semaphore, #tpu.memory_space<semaphore_mem>>) src(%dma_wait3A_168 : memref<128xf32, #tpu.memory_space<hbm>>) dst(%arg8 : memref<128xf32, #tpu.memory_space<vmem>>)
    }
    %scan3A_57 = arith.constant 20 : i32
    %barrier3A_58 = arith.constant 0 : index
    tpu.barrier barrier_id(%barrier3A_58)
    %eq3A = arith.constant 0 : i32
    %eq3A_59 = arith.cmpi eq, %arg0, %eq3A : i32
    %convert_element_type3A = arith.extui %eq3A_59 : i1 to i32
    %cond3A = arith.constant 0 : i32
    %cond3A_60 = arith.cmpi ne, %convert_element_type3A, %cond3A : i32
    scf.if %cond3A_60 {
      %mul3A_66 = arith.constant 640 : i32
      %mul3A_67 = arith.muli %arg1, %mul3A_66 : i32
      %mul3A_68 = arith.constant 640 : i32
      %mul3A_69 = arith.muli %arg1, %mul3A_68 : i32
      "tpu.region"() ({
        %run_scoped3A = tpu.sem_alloc : memref<!tpu.dma_semaphore, #tpu.memory_space<semaphore_mem>>
        %dma_start3A = tpu.memref_slice %arg4[%mul3A_69] : memref<10240xf32, #tpu.memory_space<hbm>> -> memref<640xf32, #tpu.memory_space<hbm>>
        %dma_start3A_70 = tpu.memref_slice %arg6[%mul3A_67] : memref<10240xf32, #tpu.memory_space<vmem_shared>> -> memref<640xf32, #tpu.memory_space<vmem_shared>>
        tpu.enqueue_dma source(%dma_start3A_70 : memref<640xf32, #tpu.memory_space<vmem_shared>>) target(%dma_start3A : memref<640xf32, #tpu.memory_space<hbm>>) target_semaphore(%run_scoped3A : memref<!tpu.dma_semaphore, #tpu.memory_space<semaphore_mem>>)
        %dma_wait3A = tpu.memref_slice %arg4[%mul3A_69] : memref<10240xf32, #tpu.memory_space<hbm>> -> memref<640xf32, #tpu.memory_space<hbm>>
        %dma_wait3A_71 = tpu.memref_slice %arg6[%mul3A_67] : memref<10240xf32, #tpu.memory_space<vmem_shared>> -> memref<640xf32, #tpu.memory_space<vmem_shared>>
        tpu.wait_dma2 semaphore(%run_scoped3A : memref<!tpu.dma_semaphore, #tpu.memory_space<semaphore_mem>>) src(%dma_wait3A_71 : memref<640xf32, #tpu.memory_space<vmem_shared>>) dst(%dma_wait3A : memref<640xf32, #tpu.memory_space<hbm>>)
        tpu.yield
      }) : () -> ()
    } else {
    }
    %eq3A_61 = arith.constant 1 : i32
    %eq3A_62 = arith.cmpi eq, %arg0, %eq3A_61 : i32
    %convert_element_type3A_63 = arith.extui %eq3A_62 : i1 to i32
    %cond3A_64 = arith.constant 0 : i32
    %cond3A_65 = arith.cmpi ne, %convert_element_type3A_63, %cond3A_64 : i32
    scf.if %cond3A_65 {
      %mul3A_66 = arith.constant 640 : i32
      %mul3A_67 = arith.muli %arg1, %mul3A_66 : i32
      %mul3A_68 = arith.constant 640 : i32
      %mul3A_69 = arith.muli %arg1, %mul3A_68 : i32
      "tpu.region"() ({
        %run_scoped3A = tpu.sem_alloc : memref<!tpu.dma_semaphore, #tpu.memory_space<semaphore_mem>>
        %dma_start3A = tpu.memref_slice %arg5[%mul3A_69] : memref<10240xf32, #tpu.memory_space<hbm>> -> memref<640xf32, #tpu.memory_space<hbm>>
        %dma_start3A_70 = tpu.memref_slice %arg6[%mul3A_67] : memref<10240xf32, #tpu.memory_space<vmem_shared>> -> memref<640xf32, #tpu.memory_space<vmem_shared>>
        tpu.enqueue_dma source(%dma_start3A_70 : memref<640xf32, #tpu.memory_space<vmem_shared>>) target(%dma_start3A : memref<640xf32, #tpu.memory_space<hbm>>) target_semaphore(%run_scoped3A : memref<!tpu.dma_semaphore, #tpu.memory_space<semaphore_mem>>)
        %dma_wait3A = tpu.memref_slice %arg5[%mul3A_69] : memref<10240xf32, #tpu.memory_space<hbm>> -> memref<640xf32, #tpu.memory_space<hbm>>
        %dma_wait3A_71 = tpu.memref_slice %arg6[%mul3A_67] : memref<10240xf32, #tpu.memory_space<vmem_shared>> -> memref<640xf32, #tpu.memory_space<vmem_shared>>
        tpu.wait_dma2 semaphore(%run_scoped3A : memref<!tpu.dma_semaphore, #tpu.memory_space<semaphore_mem>>) src(%dma_wait3A_71 : memref<640xf32, #tpu.memory_space<vmem_shared>>) dst(%dma_wait3A : memref<640xf32, #tpu.memory_space<hbm>>)
        tpu.yield
      }) : () -> ()
    } else {
    }
    return
  }
}

#map = affine_map<(d0, d1) -> (0, 0)>
#map1 = affine_map<(d0, d1) -> (0)>
#map2 = affine_map<(d0, d1) -> (0, 0, 0)>
module attributes {stable_mosaic.version = 14 : i64} {
  func.func @_edge_body(%arg0: i32, %arg1: i32, %arg2: memref<5120x128xi32, #tpu.memory_space<hbm>>, %arg3: memref<10240x128xf32, #tpu.memory_space<hbm>>, %arg4: memref<10240xf32, #tpu.memory_space<hbm>>, %arg5: memref<10240x128xf32, #tpu.memory_space<hbm>>, %arg6: memref<10240xf32, #tpu.memory_space<hbm>>, %arg7: memref<2x10240x128xf32, #tpu.memory_space<hbm>>, %arg8: memref<2x10240xf32, #tpu.memory_space<hbm>>, %arg9: memref<10240x128xf32, #tpu.memory_space<vmem_shared>>, %arg10: memref<10240xf32, #tpu.memory_space<vmem_shared>>, %arg11: memref<40x128xi32, #tpu.memory_space<vmem>>, %arg12: memref<40x128xi32, #tpu.memory_space<vmem>>, %arg13: memref<2x128x128xf32, #tpu.memory_space<vmem>>, %arg14: memref<2x128xf32, #tpu.memory_space<vmem>>, %arg15: memref<!tpu.dma_semaphore, #tpu.memory_space<semaphore_mem>>, %arg16: memref<!tpu.dma_semaphore, #tpu.memory_space<semaphore_mem>>) attributes {dimension_semantics = [#tpu.dimension_semantics<core_parallel>, #tpu.dimension_semantics<subcore_parallel>], iteration_bounds = array<i64: 2, 16>, scalar_prefetch = 0 : i64, scratch_operands = 8 : i64, tpu.core_type = #tpu.core_type<sc_vector_subcore>, window_params = [{transform_indices = #map}, {transform_indices = #map}, {transform_indices = #map1}, {transform_indices = #map}, {transform_indices = #map1}, {transform_indices = #map2}, {transform_indices = #map}]} {
    %mul3A = arith.constant 16 : i32
    %mul3A_0 = arith.muli %arg0, %mul3A : i32
    %add3A = arith.addi %mul3A_0, %arg1 : i32
    %mul3A_1 = arith.constant 640 : i32
    %mul3A_2 = arith.muli %arg1, %mul3A_1 : i32
    %mul3A_3 = arith.constant 640 : i32
    %mul3A_4 = arith.muli %arg1, %mul3A_3 : i32
    "tpu.region"() ({
      %run_scoped3A = tpu.sem_alloc : memref<!tpu.dma_semaphore, #tpu.memory_space<semaphore_mem>>
      %dma_start3A_136 = arith.constant 0 : i32
      %dma_start3A_137 = tpu.memref_slice %arg9[%mul3A_4, %dma_start3A_136] : memref<10240x128xf32, #tpu.memory_space<vmem_shared>> -> memref<640x128xf32, #tpu.memory_space<vmem_shared>>
      %dma_start3A_138 = arith.constant 0 : i32
      %dma_start3A_139 = tpu.memref_slice %arg5[%mul3A_2, %dma_start3A_138] : memref<10240x128xf32, #tpu.memory_space<hbm>> -> memref<640x128xf32, #tpu.memory_space<hbm>>
      tpu.enqueue_dma source(%dma_start3A_139 : memref<640x128xf32, #tpu.memory_space<hbm>>) target(%dma_start3A_137 : memref<640x128xf32, #tpu.memory_space<vmem_shared>>) target_semaphore(%run_scoped3A : memref<!tpu.dma_semaphore, #tpu.memory_space<semaphore_mem>>)
      %dma_wait3A = arith.constant 0 : i32
      %dma_wait3A_140 = tpu.memref_slice %arg9[%mul3A_4, %dma_wait3A] : memref<10240x128xf32, #tpu.memory_space<vmem_shared>> -> memref<640x128xf32, #tpu.memory_space<vmem_shared>>
      %dma_wait3A_141 = arith.constant 0 : i32
      %dma_wait3A_142 = tpu.memref_slice %arg5[%mul3A_2, %dma_wait3A_141] : memref<10240x128xf32, #tpu.memory_space<hbm>> -> memref<640x128xf32, #tpu.memory_space<hbm>>
      tpu.wait_dma2 semaphore(%run_scoped3A : memref<!tpu.dma_semaphore, #tpu.memory_space<semaphore_mem>>) src(%dma_wait3A_142 : memref<640x128xf32, #tpu.memory_space<hbm>>) dst(%dma_wait3A_140 : memref<640x128xf32, #tpu.memory_space<vmem_shared>>)
      tpu.yield
    }) : () -> ()
    %mul3A_5 = arith.constant 640 : i32
    %mul3A_6 = arith.muli %arg1, %mul3A_5 : i32
    %mul3A_7 = arith.constant 640 : i32
    %mul3A_8 = arith.muli %arg1, %mul3A_7 : i32
    "tpu.region"() ({
      %run_scoped3A = tpu.sem_alloc : memref<!tpu.dma_semaphore, #tpu.memory_space<semaphore_mem>>
      %dma_start3A_136 = tpu.memref_slice %arg10[%mul3A_8] : memref<10240xf32, #tpu.memory_space<vmem_shared>> -> memref<640xf32, #tpu.memory_space<vmem_shared>>
      %dma_start3A_137 = tpu.memref_slice %arg6[%mul3A_6] : memref<10240xf32, #tpu.memory_space<hbm>> -> memref<640xf32, #tpu.memory_space<hbm>>
      tpu.enqueue_dma source(%dma_start3A_137 : memref<640xf32, #tpu.memory_space<hbm>>) target(%dma_start3A_136 : memref<640xf32, #tpu.memory_space<vmem_shared>>) target_semaphore(%run_scoped3A : memref<!tpu.dma_semaphore, #tpu.memory_space<semaphore_mem>>)
      %dma_wait3A = tpu.memref_slice %arg10[%mul3A_8] : memref<10240xf32, #tpu.memory_space<vmem_shared>> -> memref<640xf32, #tpu.memory_space<vmem_shared>>
      %dma_wait3A_138 = tpu.memref_slice %arg6[%mul3A_6] : memref<10240xf32, #tpu.memory_space<hbm>> -> memref<640xf32, #tpu.memory_space<hbm>>
      tpu.wait_dma2 semaphore(%run_scoped3A : memref<!tpu.dma_semaphore, #tpu.memory_space<semaphore_mem>>) src(%dma_wait3A_138 : memref<640xf32, #tpu.memory_space<hbm>>) dst(%dma_wait3A : memref<640xf32, #tpu.memory_space<vmem_shared>>)
      tpu.yield
    }) : () -> ()
    %mul3A_9 = arith.constant 80 : i32
    %mul3A_10 = arith.muli %add3A, %mul3A_9 : i32
    %add3A_11 = arith.constant 0 : i32
    %add3A_12 = arith.addi %mul3A_10, %add3A_11 : i32
    "tpu.region"() ({
      %run_scoped3A = tpu.sem_alloc : memref<!tpu.dma_semaphore, #tpu.memory_space<semaphore_mem>>
      %dma_start3A_136 = arith.constant 0 : i32
      %dma_start3A_137 = tpu.memref_slice %arg2[%add3A_12, %dma_start3A_136] : memref<5120x128xi32, #tpu.memory_space<hbm>> -> memref<40x128xi32, #tpu.memory_space<hbm>>
      %dma_start3A_138 = arith.constant 0 : i32
      %dma_start3A_139 = tpu.memref_slice %arg2[%add3A_12, %dma_start3A_138] : memref<5120x128xi32, #tpu.memory_space<hbm>> -> memref<40x128xi32, #tpu.memory_space<hbm>>
      tpu.enqueue_dma source(%dma_start3A_139 : memref<40x128xi32, #tpu.memory_space<hbm>>) target(%arg11 : memref<40x128xi32, #tpu.memory_space<vmem>>) target_semaphore(%run_scoped3A : memref<!tpu.dma_semaphore, #tpu.memory_space<semaphore_mem>>)
      %dma_wait3A = arith.constant 0 : i32
      %dma_wait3A_140 = tpu.memref_slice %arg2[%add3A_12, %dma_wait3A] : memref<5120x128xi32, #tpu.memory_space<hbm>> -> memref<40x128xi32, #tpu.memory_space<hbm>>
      %dma_wait3A_141 = arith.constant 0 : i32
      %dma_wait3A_142 = tpu.memref_slice %arg2[%add3A_12, %dma_wait3A_141] : memref<5120x128xi32, #tpu.memory_space<hbm>> -> memref<40x128xi32, #tpu.memory_space<hbm>>
      tpu.wait_dma2 semaphore(%run_scoped3A : memref<!tpu.dma_semaphore, #tpu.memory_space<semaphore_mem>>) src(%dma_wait3A_142 : memref<40x128xi32, #tpu.memory_space<hbm>>) dst(%arg11 : memref<40x128xi32, #tpu.memory_space<vmem>>)
      tpu.yield
    }) : () -> ()
    %mul3A_13 = arith.constant 80 : i32
    %mul3A_14 = arith.muli %add3A, %mul3A_13 : i32
    %add3A_15 = arith.constant 2560 : i32
    %add3A_16 = arith.addi %add3A_15, %mul3A_14 : i32
    %add3A_17 = arith.constant 0 : i32
    %add3A_18 = arith.addi %add3A_16, %add3A_17 : i32
    "tpu.region"() ({
      %run_scoped3A = tpu.sem_alloc : memref<!tpu.dma_semaphore, #tpu.memory_space<semaphore_mem>>
      %dma_start3A_136 = arith.constant 0 : i32
      %dma_start3A_137 = tpu.memref_slice %arg2[%add3A_18, %dma_start3A_136] : memref<5120x128xi32, #tpu.memory_space<hbm>> -> memref<40x128xi32, #tpu.memory_space<hbm>>
      %dma_start3A_138 = arith.constant 0 : i32
      %dma_start3A_139 = tpu.memref_slice %arg2[%add3A_18, %dma_start3A_138] : memref<5120x128xi32, #tpu.memory_space<hbm>> -> memref<40x128xi32, #tpu.memory_space<hbm>>
      tpu.enqueue_dma source(%dma_start3A_139 : memref<40x128xi32, #tpu.memory_space<hbm>>) target(%arg12 : memref<40x128xi32, #tpu.memory_space<vmem>>) target_semaphore(%run_scoped3A : memref<!tpu.dma_semaphore, #tpu.memory_space<semaphore_mem>>)
      %dma_wait3A = arith.constant 0 : i32
      %dma_wait3A_140 = tpu.memref_slice %arg2[%add3A_18, %dma_wait3A] : memref<5120x128xi32, #tpu.memory_space<hbm>> -> memref<40x128xi32, #tpu.memory_space<hbm>>
      %dma_wait3A_141 = arith.constant 0 : i32
      %dma_wait3A_142 = tpu.memref_slice %arg2[%add3A_18, %dma_wait3A_141] : memref<5120x128xi32, #tpu.memory_space<hbm>> -> memref<40x128xi32, #tpu.memory_space<hbm>>
      tpu.wait_dma2 semaphore(%run_scoped3A : memref<!tpu.dma_semaphore, #tpu.memory_space<semaphore_mem>>) src(%dma_wait3A_142 : memref<40x128xi32, #tpu.memory_space<hbm>>) dst(%arg12 : memref<40x128xi32, #tpu.memory_space<vmem>>)
      tpu.yield
    }) : () -> ()
    %barrier3A = arith.constant 0 : index
    tpu.barrier barrier_id(%barrier3A)
    %dma_start3A = arith.constant 0 : i32
    %dma_start3A_19 = arith.constant 0 : i32
    %dma_start3A_20 = arith.constant 0 : i32
    %dma_start3A_21 = arith.constant 0 : i32
    %dma_start3A_22 = tpu.memref_slice %arg13[%dma_start3A_19, %dma_start3A_20, %dma_start3A_21] : memref<2x128x128xf32, #tpu.memory_space<vmem>> -> memref<1x128x128xf32, #tpu.memory_space<vmem>>
    %dma_start3A_23 = tpu.memref_squeeze %dma_start3A_22 : memref<1x128x128xf32, #tpu.memory_space<vmem>> -> memref<128x128xf32, #tpu.memory_space<vmem>>
    %dma_start3A_24 = arith.constant 0 : i32
    %dma_start3A_25 = tpu.memref_slice %arg11[%dma_start3A, %dma_start3A_24] : memref<40x128xi32, #tpu.memory_space<vmem>> -> memref<1x128xi32, #tpu.memory_space<vmem>>
    %dma_start3A_26 = tpu.memref_squeeze %dma_start3A_25 : memref<1x128xi32, #tpu.memory_space<vmem>> -> memref<128xi32, #tpu.memory_space<vmem>>
    %dma_start3A_27 = arith.constant 0 : i32
    %dma_start3A_28 = arith.constant 0 : i32
    %dma_start3A_29 = tpu.memref_slice %arg3[%dma_start3A_27, %dma_start3A_28] : memref<10240x128xf32, #tpu.memory_space<hbm>> -> memref<10240x128xf32, #tpu.memory_space<hbm>>
    tpu.enqueue_indirect_dma source(%dma_start3A_29 : memref<10240x128xf32, #tpu.memory_space<hbm>>) target(%dma_start3A_23 : memref<128x128xf32, #tpu.memory_space<vmem>>) offsets(%dma_start3A_26 : memref<128xi32, #tpu.memory_space<vmem>>) semaphore(%arg15 : memref<!tpu.dma_semaphore, #tpu.memory_space<semaphore_mem>>)
    %dma_start3A_30 = arith.constant 0 : i32
    %dma_start3A_31 = arith.constant 0 : i32
    %dma_start3A_32 = arith.constant 0 : i32
    %dma_start3A_33 = tpu.memref_slice %arg14[%dma_start3A_31, %dma_start3A_32] : memref<2x128xf32, #tpu.memory_space<vmem>> -> memref<1x128xf32, #tpu.memory_space<vmem>>
    %dma_start3A_34 = tpu.memref_squeeze %dma_start3A_33 : memref<1x128xf32, #tpu.memory_space<vmem>> -> memref<128xf32, #tpu.memory_space<vmem>>
    %dma_start3A_35 = arith.constant 0 : i32
    %dma_start3A_36 = tpu.memref_slice %arg12[%dma_start3A_30, %dma_start3A_35] : memref<40x128xi32, #tpu.memory_space<vmem>> -> memref<1x128xi32, #tpu.memory_space<vmem>>
    %dma_start3A_37 = tpu.memref_squeeze %dma_start3A_36 : memref<1x128xi32, #tpu.memory_space<vmem>> -> memref<128xi32, #tpu.memory_space<vmem>>
    %dma_start3A_38 = arith.constant 0 : i32
    %dma_start3A_39 = tpu.memref_slice %arg4[%dma_start3A_38] : memref<10240xf32, #tpu.memory_space<hbm>> -> memref<10240xf32, #tpu.memory_space<hbm>>
    tpu.enqueue_indirect_dma source(%dma_start3A_39 : memref<10240xf32, #tpu.memory_space<hbm>>) target(%dma_start3A_34 : memref<128xf32, #tpu.memory_space<vmem>>) offsets(%dma_start3A_37 : memref<128xi32, #tpu.memory_space<vmem>>) semaphore(%arg16 : memref<!tpu.dma_semaphore, #tpu.memory_space<semaphore_mem>>)
    %dma_start3A_40 = arith.constant 1 : i32
    %dma_start3A_41 = arith.constant 1 : i32
    %dma_start3A_42 = arith.constant 0 : i32
    %dma_start3A_43 = arith.constant 0 : i32
    %dma_start3A_44 = tpu.memref_slice %arg13[%dma_start3A_41, %dma_start3A_42, %dma_start3A_43] : memref<2x128x128xf32, #tpu.memory_space<vmem>> -> memref<1x128x128xf32, #tpu.memory_space<vmem>>
    %dma_start3A_45 = tpu.memref_squeeze %dma_start3A_44 : memref<1x128x128xf32, #tpu.memory_space<vmem>> -> memref<128x128xf32, #tpu.memory_space<vmem>>
    %dma_start3A_46 = arith.constant 0 : i32
    %dma_start3A_47 = tpu.memref_slice %arg11[%dma_start3A_40, %dma_start3A_46] : memref<40x128xi32, #tpu.memory_space<vmem>> -> memref<1x128xi32, #tpu.memory_space<vmem>>
    %dma_start3A_48 = tpu.memref_squeeze %dma_start3A_47 : memref<1x128xi32, #tpu.memory_space<vmem>> -> memref<128xi32, #tpu.memory_space<vmem>>
    %dma_start3A_49 = arith.constant 0 : i32
    %dma_start3A_50 = arith.constant 0 : i32
    %dma_start3A_51 = tpu.memref_slice %arg3[%dma_start3A_49, %dma_start3A_50] : memref<10240x128xf32, #tpu.memory_space<hbm>> -> memref<10240x128xf32, #tpu.memory_space<hbm>>
    tpu.enqueue_indirect_dma source(%dma_start3A_51 : memref<10240x128xf32, #tpu.memory_space<hbm>>) target(%dma_start3A_45 : memref<128x128xf32, #tpu.memory_space<vmem>>) offsets(%dma_start3A_48 : memref<128xi32, #tpu.memory_space<vmem>>) semaphore(%arg15 : memref<!tpu.dma_semaphore, #tpu.memory_space<semaphore_mem>>)
    %dma_start3A_52 = arith.constant 1 : i32
    %dma_start3A_53 = arith.constant 1 : i32
    %dma_start3A_54 = arith.constant 0 : i32
    %dma_start3A_55 = tpu.memref_slice %arg14[%dma_start3A_53, %dma_start3A_54] : memref<2x128xf32, #tpu.memory_space<vmem>> -> memref<1x128xf32, #tpu.memory_space<vmem>>
    %dma_start3A_56 = tpu.memref_squeeze %dma_start3A_55 : memref<1x128xf32, #tpu.memory_space<vmem>> -> memref<128xf32, #tpu.memory_space<vmem>>
    %dma_start3A_57 = arith.constant 0 : i32
    %dma_start3A_58 = tpu.memref_slice %arg12[%dma_start3A_52, %dma_start3A_57] : memref<40x128xi32, #tpu.memory_space<vmem>> -> memref<1x128xi32, #tpu.memory_space<vmem>>
    %dma_start3A_59 = tpu.memref_squeeze %dma_start3A_58 : memref<1x128xi32, #tpu.memory_space<vmem>> -> memref<128xi32, #tpu.memory_space<vmem>>
    %dma_start3A_60 = arith.constant 0 : i32
    %dma_start3A_61 = tpu.memref_slice %arg4[%dma_start3A_60] : memref<10240xf32, #tpu.memory_space<hbm>> -> memref<10240xf32, #tpu.memory_space<hbm>>
    tpu.enqueue_indirect_dma source(%dma_start3A_61 : memref<10240xf32, #tpu.memory_space<hbm>>) target(%dma_start3A_56 : memref<128xf32, #tpu.memory_space<vmem>>) offsets(%dma_start3A_59 : memref<128xi32, #tpu.memory_space<vmem>>) semaphore(%arg16 : memref<!tpu.dma_semaphore, #tpu.memory_space<semaphore_mem>>)
    %scan3A = arith.constant 0 : i32
    %scan3A_62 = arith.constant 0 : i32
    %scan3A_63 = arith.constant 20 : i32
    %scan3A_64 = arith.addi %scan3A_62, %scan3A_63 : i32
    %scan3A_65 = arith.constant 1 : i32
    scf.for %scan3A_136 = %scan3A_62 to %scan3A_64 step %scan3A_65  : i32 {
      %mul3A_137 = arith.constant 2 : i32
      %mul3A_138 = arith.muli %scan3A_136, %mul3A_137 : i32
      %add3A_139 = arith.constant 0 : i32
      %add3A_140 = arith.addi %mul3A_138, %add3A_139 : i32
      %dma_wait3A = arith.constant 0 : i32
      %dma_wait3A_141 = arith.constant 0 : i32
      %dma_wait3A_142 = arith.constant 0 : i32
      %dma_wait3A_143 = tpu.memref_slice %arg13[%dma_wait3A, %dma_wait3A_141, %dma_wait3A_142] : memref<2x128x128xf32, #tpu.memory_space<vmem>> -> memref<1x128x128xf32, #tpu.memory_space<vmem>>
      %dma_wait3A_144 = tpu.memref_squeeze %dma_wait3A_143 : memref<1x128x128xf32, #tpu.memory_space<vmem>> -> memref<128x128xf32, #tpu.memory_space<vmem>>
      %dma_wait3A_145 = arith.constant 0 : i32
      %dma_wait3A_146 = arith.constant 0 : i32
      %dma_wait3A_147 = tpu.memref_slice %arg3[%dma_wait3A_145, %dma_wait3A_146] : memref<10240x128xf32, #tpu.memory_space<hbm>> -> memref<128x128xf32, #tpu.memory_space<hbm>>
      %dma_wait3A_148 = arith.constant 0 : i32
      %dma_wait3A_149 = arith.constant 0 : i32
      %dma_wait3A_150 = tpu.memref_slice %arg13[%dma_wait3A, %dma_wait3A_148, %dma_wait3A_149] : memref<2x128x128xf32, #tpu.memory_space<vmem>> -> memref<1x128x128xf32, #tpu.memory_space<vmem>>
      %dma_wait3A_151 = tpu.memref_squeeze %dma_wait3A_150 : memref<1x128x128xf32, #tpu.memory_space<vmem>> -> memref<128x128xf32, #tpu.memory_space<vmem>>
      %dma_wait3A_152 = arith.constant 0 : i32
      %dma_wait3A_153 = arith.constant 0 : i32
      %dma_wait3A_154 = tpu.memref_slice %arg3[%dma_wait3A_152, %dma_wait3A_153] : memref<10240x128xf32, #tpu.memory_space<hbm>> -> memref<128x128xf32, #tpu.memory_space<hbm>>
      tpu.wait_dma2 semaphore(%arg15 : memref<!tpu.dma_semaphore, #tpu.memory_space<semaphore_mem>>) src(%dma_wait3A_154 : memref<128x128xf32, #tpu.memory_space<hbm>>) dst(%dma_wait3A_151 : memref<128x128xf32, #tpu.memory_space<vmem>>)
      %run_scoped3A = arith.constant 0 : i32
      "tpu.region"() ({
        %run_scoped3A_206 = tpu.sem_alloc : memref<!tpu.dma_semaphore, #tpu.memory_space<semaphore_mem>>
        %dma_start3A_207 = arith.constant 0 : i32
        %dma_start3A_208 = arith.constant 0 : i32
        %dma_start3A_209 = tpu.memref_slice %arg13[%run_scoped3A, %dma_start3A_207, %dma_start3A_208] : memref<2x128x128xf32, #tpu.memory_space<vmem>> -> memref<1x128x128xf32, #tpu.memory_space<vmem>>
        %dma_start3A_210 = tpu.memref_squeeze %dma_start3A_209 : memref<1x128x128xf32, #tpu.memory_space<vmem>> -> memref<128x128xf32, #tpu.memory_space<vmem>>
        %dma_start3A_211 = arith.constant 0 : i32
        %dma_start3A_212 = tpu.memref_slice %arg12[%add3A_140, %dma_start3A_211] : memref<40x128xi32, #tpu.memory_space<vmem>> -> memref<1x128xi32, #tpu.memory_space<vmem>>
        %dma_start3A_213 = tpu.memref_squeeze %dma_start3A_212 : memref<1x128xi32, #tpu.memory_space<vmem>> -> memref<128xi32, #tpu.memory_space<vmem>>
        %dma_start3A_214 = arith.constant 0 : i32
        %dma_start3A_215 = arith.constant 0 : i32
        %dma_start3A_216 = tpu.memref_slice %arg9[%dma_start3A_214, %dma_start3A_215] : memref<10240x128xf32, #tpu.memory_space<vmem_shared>> -> memref<10240x128xf32, #tpu.memory_space<vmem_shared>>
        tpu.enqueue_indirect_dma source(%dma_start3A_210 : memref<128x128xf32, #tpu.memory_space<vmem>>) target(%dma_start3A_216 : memref<10240x128xf32, #tpu.memory_space<vmem_shared>>) offsets(%dma_start3A_213 : memref<128xi32, #tpu.memory_space<vmem>>) semaphore(%run_scoped3A_206 : memref<!tpu.dma_semaphore, #tpu.memory_space<semaphore_mem>>) {add = true}
        %dma_wait3A_217 = arith.constant 0 : i32
        %dma_wait3A_218 = arith.constant 0 : i32
        %dma_wait3A_219 = tpu.memref_slice %arg13[%run_scoped3A, %dma_wait3A_217, %dma_wait3A_218] : memref<2x128x128xf32, #tpu.memory_space<vmem>> -> memref<1x128x128xf32, #tpu.memory_space<vmem>>
        %dma_wait3A_220 = tpu.memref_squeeze %dma_wait3A_219 : memref<1x128x128xf32, #tpu.memory_space<vmem>> -> memref<128x128xf32, #tpu.memory_space<vmem>>
        %dma_wait3A_221 = arith.constant 0 : i32
        %dma_wait3A_222 = tpu.memref_slice %arg12[%add3A_140, %dma_wait3A_221] : memref<40x128xi32, #tpu.memory_space<vmem>> -> memref<1x128xi32, #tpu.memory_space<vmem>>
        %dma_wait3A_223 = tpu.memref_squeeze %dma_wait3A_222 : memref<1x128xi32, #tpu.memory_space<vmem>> -> memref<128xi32, #tpu.memory_space<vmem>>
        %dma_wait3A_224 = arith.constant 0 : i32
        %dma_wait3A_225 = arith.constant 0 : i32
        %dma_wait3A_226 = tpu.memref_slice %arg9[%dma_wait3A_224, %dma_wait3A_225] : memref<10240x128xf32, #tpu.memory_space<vmem_shared>> -> memref<10240x128xf32, #tpu.memory_space<vmem_shared>>
        tpu.wait_indirect_dma semaphore(%run_scoped3A_206 : memref<!tpu.dma_semaphore, #tpu.memory_space<semaphore_mem>>) src(%dma_wait3A_220 : memref<128x128xf32, #tpu.memory_space<vmem>>) dst(%dma_wait3A_226 : memref<10240x128xf32, #tpu.memory_space<vmem_shared>>)
        tpu.yield
      }) : () -> ()
      %dma_wait3A_155 = arith.constant 0 : i32
      %dma_wait3A_156 = arith.constant 0 : i32
      %dma_wait3A_157 = tpu.memref_slice %arg14[%dma_wait3A_155, %dma_wait3A_156] : memref<2x128xf32, #tpu.memory_space<vmem>> -> memref<1x128xf32, #tpu.memory_space<vmem>>
      %dma_wait3A_158 = tpu.memref_squeeze %dma_wait3A_157 : memref<1x128xf32, #tpu.memory_space<vmem>> -> memref<128xf32, #tpu.memory_space<vmem>>
      %dma_wait3A_159 = arith.constant 0 : i32
      %dma_wait3A_160 = tpu.memref_slice %arg4[%dma_wait3A_159] : memref<10240xf32, #tpu.memory_space<hbm>> -> memref<128xf32, #tpu.memory_space<hbm>>
      %dma_wait3A_161 = arith.constant 0 : i32
      %dma_wait3A_162 = tpu.memref_slice %arg14[%dma_wait3A_155, %dma_wait3A_161] : memref<2x128xf32, #tpu.memory_space<vmem>> -> memref<1x128xf32, #tpu.memory_space<vmem>>
      %dma_wait3A_163 = tpu.memref_squeeze %dma_wait3A_162 : memref<1x128xf32, #tpu.memory_space<vmem>> -> memref<128xf32, #tpu.memory_space<vmem>>
      %dma_wait3A_164 = arith.constant 0 : i32
      %dma_wait3A_165 = tpu.memref_slice %arg4[%dma_wait3A_164] : memref<10240xf32, #tpu.memory_space<hbm>> -> memref<128xf32, #tpu.memory_space<hbm>>
      tpu.wait_dma2 semaphore(%arg16 : memref<!tpu.dma_semaphore, #tpu.memory_space<semaphore_mem>>) src(%dma_wait3A_165 : memref<128xf32, #tpu.memory_space<hbm>>) dst(%dma_wait3A_163 : memref<128xf32, #tpu.memory_space<vmem>>)
      %run_scoped3A_166 = arith.constant 0 : i32
      "tpu.region"() ({
        %run_scoped3A_206 = tpu.sem_alloc : memref<!tpu.dma_semaphore, #tpu.memory_space<semaphore_mem>>
        %dma_start3A_207 = arith.constant 0 : i32
        %dma_start3A_208 = tpu.memref_slice %arg14[%run_scoped3A_166, %dma_start3A_207] : memref<2x128xf32, #tpu.memory_space<vmem>> -> memref<1x128xf32, #tpu.memory_space<vmem>>
        %dma_start3A_209 = tpu.memref_squeeze %dma_start3A_208 : memref<1x128xf32, #tpu.memory_space<vmem>> -> memref<128xf32, #tpu.memory_space<vmem>>
        %dma_start3A_210 = arith.constant 0 : i32
        %dma_start3A_211 = tpu.memref_slice %arg11[%add3A_140, %dma_start3A_210] : memref<40x128xi32, #tpu.memory_space<vmem>> -> memref<1x128xi32, #tpu.memory_space<vmem>>
        %dma_start3A_212 = tpu.memref_squeeze %dma_start3A_211 : memref<1x128xi32, #tpu.memory_space<vmem>> -> memref<128xi32, #tpu.memory_space<vmem>>
        %dma_start3A_213 = arith.constant 0 : i32
        %dma_start3A_214 = tpu.memref_slice %arg10[%dma_start3A_213] : memref<10240xf32, #tpu.memory_space<vmem_shared>> -> memref<10240xf32, #tpu.memory_space<vmem_shared>>
        tpu.enqueue_indirect_dma source(%dma_start3A_209 : memref<128xf32, #tpu.memory_space<vmem>>) target(%dma_start3A_214 : memref<10240xf32, #tpu.memory_space<vmem_shared>>) offsets(%dma_start3A_212 : memref<128xi32, #tpu.memory_space<vmem>>) semaphore(%run_scoped3A_206 : memref<!tpu.dma_semaphore, #tpu.memory_space<semaphore_mem>>) {add = true}
        %dma_wait3A_215 = arith.constant 0 : i32
        %dma_wait3A_216 = tpu.memref_slice %arg14[%run_scoped3A_166, %dma_wait3A_215] : memref<2x128xf32, #tpu.memory_space<vmem>> -> memref<1x128xf32, #tpu.memory_space<vmem>>
        %dma_wait3A_217 = tpu.memref_squeeze %dma_wait3A_216 : memref<1x128xf32, #tpu.memory_space<vmem>> -> memref<128xf32, #tpu.memory_space<vmem>>
        %dma_wait3A_218 = arith.constant 0 : i32
        %dma_wait3A_219 = tpu.memref_slice %arg11[%add3A_140, %dma_wait3A_218] : memref<40x128xi32, #tpu.memory_space<vmem>> -> memref<1x128xi32, #tpu.memory_space<vmem>>
        %dma_wait3A_220 = tpu.memref_squeeze %dma_wait3A_219 : memref<1x128xi32, #tpu.memory_space<vmem>> -> memref<128xi32, #tpu.memory_space<vmem>>
        %dma_wait3A_221 = arith.constant 0 : i32
        %dma_wait3A_222 = tpu.memref_slice %arg10[%dma_wait3A_221] : memref<10240xf32, #tpu.memory_space<vmem_shared>> -> memref<10240xf32, #tpu.memory_space<vmem_shared>>
        tpu.wait_indirect_dma semaphore(%run_scoped3A_206 : memref<!tpu.dma_semaphore, #tpu.memory_space<semaphore_mem>>) src(%dma_wait3A_217 : memref<128xf32, #tpu.memory_space<vmem>>) dst(%dma_wait3A_222 : memref<10240xf32, #tpu.memory_space<vmem_shared>>)
        tpu.yield
      }) : () -> ()
      %lt3A = arith.constant 19 : i32
      %lt3A_167 = arith.cmpi slt, %scan3A_136, %lt3A : i32
      %convert_element_type3A = arith.extui %lt3A_167 : i1 to i32
      %cond3A = arith.constant 0 : i32
      %cond3A_168 = arith.cmpi ne, %convert_element_type3A, %cond3A : i32
      scf.if %cond3A_168 {
        %add3A_206 = arith.constant 2 : i32
        %add3A_207 = arith.addi %add3A_140, %add3A_206 : i32
        %dma_start3A_208 = arith.constant 0 : i32
        %dma_start3A_209 = arith.constant 0 : i32
        %dma_start3A_210 = arith.constant 0 : i32
        %dma_start3A_211 = tpu.memref_slice %arg13[%dma_start3A_208, %dma_start3A_209, %dma_start3A_210] : memref<2x128x128xf32, #tpu.memory_space<vmem>> -> memref<1x128x128xf32, #tpu.memory_space<vmem>>
        %dma_start3A_212 = tpu.memref_squeeze %dma_start3A_211 : memref<1x128x128xf32, #tpu.memory_space<vmem>> -> memref<128x128xf32, #tpu.memory_space<vmem>>
        %dma_start3A_213 = arith.constant 0 : i32
        %dma_start3A_214 = tpu.memref_slice %arg11[%add3A_207, %dma_start3A_213] : memref<40x128xi32, #tpu.memory_space<vmem>> -> memref<1x128xi32, #tpu.memory_space<vmem>>
        %dma_start3A_215 = tpu.memref_squeeze %dma_start3A_214 : memref<1x128xi32, #tpu.memory_space<vmem>> -> memref<128xi32, #tpu.memory_space<vmem>>
        %dma_start3A_216 = arith.constant 0 : i32
        %dma_start3A_217 = arith.constant 0 : i32
        %dma_start3A_218 = tpu.memref_slice %arg3[%dma_start3A_216, %dma_start3A_217] : memref<10240x128xf32, #tpu.memory_space<hbm>> -> memref<10240x128xf32, #tpu.memory_space<hbm>>
        tpu.enqueue_indirect_dma source(%dma_start3A_218 : memref<10240x128xf32, #tpu.memory_space<hbm>>) target(%dma_start3A_212 : memref<128x128xf32, #tpu.memory_space<vmem>>) offsets(%dma_start3A_215 : memref<128xi32, #tpu.memory_space<vmem>>) semaphore(%arg15 : memref<!tpu.dma_semaphore, #tpu.memory_space<semaphore_mem>>)
        %add3A_219 = arith.constant 2 : i32
        %add3A_220 = arith.addi %add3A_140, %add3A_219 : i32
        %dma_start3A_221 = arith.constant 0 : i32
        %dma_start3A_222 = arith.constant 0 : i32
        %dma_start3A_223 = tpu.memref_slice %arg14[%dma_start3A_221, %dma_start3A_222] : memref<2x128xf32, #tpu.memory_space<vmem>> -> memref<1x128xf32, #tpu.memory_space<vmem>>
        %dma_start3A_224 = tpu.memref_squeeze %dma_start3A_223 : memref<1x128xf32, #tpu.memory_space<vmem>> -> memref<128xf32, #tpu.memory_space<vmem>>
        %dma_start3A_225 = arith.constant 0 : i32
        %dma_start3A_226 = tpu.memref_slice %arg12[%add3A_220, %dma_start3A_225] : memref<40x128xi32, #tpu.memory_space<vmem>> -> memref<1x128xi32, #tpu.memory_space<vmem>>
        %dma_start3A_227 = tpu.memref_squeeze %dma_start3A_226 : memref<1x128xi32, #tpu.memory_space<vmem>> -> memref<128xi32, #tpu.memory_space<vmem>>
        %dma_start3A_228 = arith.constant 0 : i32
        %dma_start3A_229 = tpu.memref_slice %arg4[%dma_start3A_228] : memref<10240xf32, #tpu.memory_space<hbm>> -> memref<10240xf32, #tpu.memory_space<hbm>>
        tpu.enqueue_indirect_dma source(%dma_start3A_229 : memref<10240xf32, #tpu.memory_space<hbm>>) target(%dma_start3A_224 : memref<128xf32, #tpu.memory_space<vmem>>) offsets(%dma_start3A_227 : memref<128xi32, #tpu.memory_space<vmem>>) semaphore(%arg16 : memref<!tpu.dma_semaphore, #tpu.memory_space<semaphore_mem>>)
      } else {
      }
      %mul3A_169 = arith.constant 2 : i32
      %mul3A_170 = arith.muli %scan3A_136, %mul3A_169 : i32
      %add3A_171 = arith.constant 1 : i32
      %add3A_172 = arith.addi %mul3A_170, %add3A_171 : i32
      %dma_wait3A_173 = arith.constant 1 : i32
      %dma_wait3A_174 = arith.constant 0 : i32
      %dma_wait3A_175 = arith.constant 0 : i32
      %dma_wait3A_176 = tpu.memref_slice %arg13[%dma_wait3A_173, %dma_wait3A_174, %dma_wait3A_175] : memref<2x128x128xf32, #tpu.memory_space<vmem>> -> memref<1x128x128xf32, #tpu.memory_space<vmem>>
      %dma_wait3A_177 = tpu.memref_squeeze %dma_wait3A_176 : memref<1x128x128xf32, #tpu.memory_space<vmem>> -> memref<128x128xf32, #tpu.memory_space<vmem>>
      %dma_wait3A_178 = arith.constant 0 : i32
      %dma_wait3A_179 = arith.constant 0 : i32
      %dma_wait3A_180 = tpu.memref_slice %arg3[%dma_wait3A_178, %dma_wait3A_179] : memref<10240x128xf32, #tpu.memory_space<hbm>> -> memref<128x128xf32, #tpu.memory_space<hbm>>
      %dma_wait3A_181 = arith.constant 0 : i32
      %dma_wait3A_182 = arith.constant 0 : i32
      %dma_wait3A_183 = tpu.memref_slice %arg13[%dma_wait3A_173, %dma_wait3A_181, %dma_wait3A_182] : memref<2x128x128xf32, #tpu.memory_space<vmem>> -> memref<1x128x128xf32, #tpu.memory_space<vmem>>
      %dma_wait3A_184 = tpu.memref_squeeze %dma_wait3A_183 : memref<1x128x128xf32, #tpu.memory_space<vmem>> -> memref<128x128xf32, #tpu.memory_space<vmem>>
      %dma_wait3A_185 = arith.constant 0 : i32
      %dma_wait3A_186 = arith.constant 0 : i32
      %dma_wait3A_187 = tpu.memref_slice %arg3[%dma_wait3A_185, %dma_wait3A_186] : memref<10240x128xf32, #tpu.memory_space<hbm>> -> memref<128x128xf32, #tpu.memory_space<hbm>>
      tpu.wait_dma2 semaphore(%arg15 : memref<!tpu.dma_semaphore, #tpu.memory_space<semaphore_mem>>) src(%dma_wait3A_187 : memref<128x128xf32, #tpu.memory_space<hbm>>) dst(%dma_wait3A_184 : memref<128x128xf32, #tpu.memory_space<vmem>>)
      %run_scoped3A_188 = arith.constant 1 : i32
      "tpu.region"() ({
        %run_scoped3A_206 = tpu.sem_alloc : memref<!tpu.dma_semaphore, #tpu.memory_space<semaphore_mem>>
        %dma_start3A_207 = arith.constant 0 : i32
        %dma_start3A_208 = arith.constant 0 : i32
        %dma_start3A_209 = tpu.memref_slice %arg13[%run_scoped3A_188, %dma_start3A_207, %dma_start3A_208] : memref<2x128x128xf32, #tpu.memory_space<vmem>> -> memref<1x128x128xf32, #tpu.memory_space<vmem>>
        %dma_start3A_210 = tpu.memref_squeeze %dma_start3A_209 : memref<1x128x128xf32, #tpu.memory_space<vmem>> -> memref<128x128xf32, #tpu.memory_space<vmem>>
        %dma_start3A_211 = arith.constant 0 : i32
        %dma_start3A_212 = tpu.memref_slice %arg12[%add3A_172, %dma_start3A_211] : memref<40x128xi32, #tpu.memory_space<vmem>> -> memref<1x128xi32, #tpu.memory_space<vmem>>
        %dma_start3A_213 = tpu.memref_squeeze %dma_start3A_212 : memref<1x128xi32, #tpu.memory_space<vmem>> -> memref<128xi32, #tpu.memory_space<vmem>>
        %dma_start3A_214 = arith.constant 0 : i32
        %dma_start3A_215 = arith.constant 0 : i32
        %dma_start3A_216 = tpu.memref_slice %arg9[%dma_start3A_214, %dma_start3A_215] : memref<10240x128xf32, #tpu.memory_space<vmem_shared>> -> memref<10240x128xf32, #tpu.memory_space<vmem_shared>>
        tpu.enqueue_indirect_dma source(%dma_start3A_210 : memref<128x128xf32, #tpu.memory_space<vmem>>) target(%dma_start3A_216 : memref<10240x128xf32, #tpu.memory_space<vmem_shared>>) offsets(%dma_start3A_213 : memref<128xi32, #tpu.memory_space<vmem>>) semaphore(%run_scoped3A_206 : memref<!tpu.dma_semaphore, #tpu.memory_space<semaphore_mem>>) {add = true}
        %dma_wait3A_217 = arith.constant 0 : i32
        %dma_wait3A_218 = arith.constant 0 : i32
        %dma_wait3A_219 = tpu.memref_slice %arg13[%run_scoped3A_188, %dma_wait3A_217, %dma_wait3A_218] : memref<2x128x128xf32, #tpu.memory_space<vmem>> -> memref<1x128x128xf32, #tpu.memory_space<vmem>>
        %dma_wait3A_220 = tpu.memref_squeeze %dma_wait3A_219 : memref<1x128x128xf32, #tpu.memory_space<vmem>> -> memref<128x128xf32, #tpu.memory_space<vmem>>
        %dma_wait3A_221 = arith.constant 0 : i32
        %dma_wait3A_222 = tpu.memref_slice %arg12[%add3A_172, %dma_wait3A_221] : memref<40x128xi32, #tpu.memory_space<vmem>> -> memref<1x128xi32, #tpu.memory_space<vmem>>
        %dma_wait3A_223 = tpu.memref_squeeze %dma_wait3A_222 : memref<1x128xi32, #tpu.memory_space<vmem>> -> memref<128xi32, #tpu.memory_space<vmem>>
        %dma_wait3A_224 = arith.constant 0 : i32
        %dma_wait3A_225 = arith.constant 0 : i32
        %dma_wait3A_226 = tpu.memref_slice %arg9[%dma_wait3A_224, %dma_wait3A_225] : memref<10240x128xf32, #tpu.memory_space<vmem_shared>> -> memref<10240x128xf32, #tpu.memory_space<vmem_shared>>
        tpu.wait_indirect_dma semaphore(%run_scoped3A_206 : memref<!tpu.dma_semaphore, #tpu.memory_space<semaphore_mem>>) src(%dma_wait3A_220 : memref<128x128xf32, #tpu.memory_space<vmem>>) dst(%dma_wait3A_226 : memref<10240x128xf32, #tpu.memory_space<vmem_shared>>)
        tpu.yield
      }) : () -> ()
      %dma_wait3A_189 = arith.constant 1 : i32
      %dma_wait3A_190 = arith.constant 0 : i32
      %dma_wait3A_191 = tpu.memref_slice %arg14[%dma_wait3A_189, %dma_wait3A_190] : memref<2x128xf32, #tpu.memory_space<vmem>> -> memref<1x128xf32, #tpu.memory_space<vmem>>
      %dma_wait3A_192 = tpu.memref_squeeze %dma_wait3A_191 : memref<1x128xf32, #tpu.memory_space<vmem>> -> memref<128xf32, #tpu.memory_space<vmem>>
      %dma_wait3A_193 = arith.constant 0 : i32
      %dma_wait3A_194 = tpu.memref_slice %arg4[%dma_wait3A_193] : memref<10240xf32, #tpu.memory_space<hbm>> -> memref<128xf32, #tpu.memory_space<hbm>>
      %dma_wait3A_195 = arith.constant 0 : i32
      %dma_wait3A_196 = tpu.memref_slice %arg14[%dma_wait3A_189, %dma_wait3A_195] : memref<2x128xf32, #tpu.memory_space<vmem>> -> memref<1x128xf32, #tpu.memory_space<vmem>>
      %dma_wait3A_197 = tpu.memref_squeeze %dma_wait3A_196 : memref<1x128xf32, #tpu.memory_space<vmem>> -> memref<128xf32, #tpu.memory_space<vmem>>
      %dma_wait3A_198 = arith.constant 0 : i32
      %dma_wait3A_199 = tpu.memref_slice %arg4[%dma_wait3A_198] : memref<10240xf32, #tpu.memory_space<hbm>> -> memref<128xf32, #tpu.memory_space<hbm>>
      tpu.wait_dma2 semaphore(%arg16 : memref<!tpu.dma_semaphore, #tpu.memory_space<semaphore_mem>>) src(%dma_wait3A_199 : memref<128xf32, #tpu.memory_space<hbm>>) dst(%dma_wait3A_197 : memref<128xf32, #tpu.memory_space<vmem>>)
      %run_scoped3A_200 = arith.constant 1 : i32
      "tpu.region"() ({
        %run_scoped3A_206 = tpu.sem_alloc : memref<!tpu.dma_semaphore, #tpu.memory_space<semaphore_mem>>
        %dma_start3A_207 = arith.constant 0 : i32
        %dma_start3A_208 = tpu.memref_slice %arg14[%run_scoped3A_200, %dma_start3A_207] : memref<2x128xf32, #tpu.memory_space<vmem>> -> memref<1x128xf32, #tpu.memory_space<vmem>>
        %dma_start3A_209 = tpu.memref_squeeze %dma_start3A_208 : memref<1x128xf32, #tpu.memory_space<vmem>> -> memref<128xf32, #tpu.memory_space<vmem>>
        %dma_start3A_210 = arith.constant 0 : i32
        %dma_start3A_211 = tpu.memref_slice %arg11[%add3A_172, %dma_start3A_210] : memref<40x128xi32, #tpu.memory_space<vmem>> -> memref<1x128xi32, #tpu.memory_space<vmem>>
        %dma_start3A_212 = tpu.memref_squeeze %dma_start3A_211 : memref<1x128xi32, #tpu.memory_space<vmem>> -> memref<128xi32, #tpu.memory_space<vmem>>
        %dma_start3A_213 = arith.constant 0 : i32
        %dma_start3A_214 = tpu.memref_slice %arg10[%dma_start3A_213] : memref<10240xf32, #tpu.memory_space<vmem_shared>> -> memref<10240xf32, #tpu.memory_space<vmem_shared>>
        tpu.enqueue_indirect_dma source(%dma_start3A_209 : memref<128xf32, #tpu.memory_space<vmem>>) target(%dma_start3A_214 : memref<10240xf32, #tpu.memory_space<vmem_shared>>) offsets(%dma_start3A_212 : memref<128xi32, #tpu.memory_space<vmem>>) semaphore(%run_scoped3A_206 : memref<!tpu.dma_semaphore, #tpu.memory_space<semaphore_mem>>) {add = true}
        %dma_wait3A_215 = arith.constant 0 : i32
        %dma_wait3A_216 = tpu.memref_slice %arg14[%run_scoped3A_200, %dma_wait3A_215] : memref<2x128xf32, #tpu.memory_space<vmem>> -> memref<1x128xf32, #tpu.memory_space<vmem>>
        %dma_wait3A_217 = tpu.memref_squeeze %dma_wait3A_216 : memref<1x128xf32, #tpu.memory_space<vmem>> -> memref<128xf32, #tpu.memory_space<vmem>>
        %dma_wait3A_218 = arith.constant 0 : i32
        %dma_wait3A_219 = tpu.memref_slice %arg11[%add3A_172, %dma_wait3A_218] : memref<40x128xi32, #tpu.memory_space<vmem>> -> memref<1x128xi32, #tpu.memory_space<vmem>>
        %dma_wait3A_220 = tpu.memref_squeeze %dma_wait3A_219 : memref<1x128xi32, #tpu.memory_space<vmem>> -> memref<128xi32, #tpu.memory_space<vmem>>
        %dma_wait3A_221 = arith.constant 0 : i32
        %dma_wait3A_222 = tpu.memref_slice %arg10[%dma_wait3A_221] : memref<10240xf32, #tpu.memory_space<vmem_shared>> -> memref<10240xf32, #tpu.memory_space<vmem_shared>>
        tpu.wait_indirect_dma semaphore(%run_scoped3A_206 : memref<!tpu.dma_semaphore, #tpu.memory_space<semaphore_mem>>) src(%dma_wait3A_217 : memref<128xf32, #tpu.memory_space<vmem>>) dst(%dma_wait3A_222 : memref<10240xf32, #tpu.memory_space<vmem_shared>>)
        tpu.yield
      }) : () -> ()
      %lt3A_201 = arith.constant 19 : i32
      %lt3A_202 = arith.cmpi slt, %scan3A_136, %lt3A_201 : i32
      %convert_element_type3A_203 = arith.extui %lt3A_202 : i1 to i32
      %cond3A_204 = arith.constant 0 : i32
      %cond3A_205 = arith.cmpi ne, %convert_element_type3A_203, %cond3A_204 : i32
      scf.if %cond3A_205 {
        %add3A_206 = arith.constant 2 : i32
        %add3A_207 = arith.addi %add3A_172, %add3A_206 : i32
        %dma_start3A_208 = arith.constant 1 : i32
        %dma_start3A_209 = arith.constant 0 : i32
        %dma_start3A_210 = arith.constant 0 : i32
        %dma_start3A_211 = tpu.memref_slice %arg13[%dma_start3A_208, %dma_start3A_209, %dma_start3A_210] : memref<2x128x128xf32, #tpu.memory_space<vmem>> -> memref<1x128x128xf32, #tpu.memory_space<vmem>>
        %dma_start3A_212 = tpu.memref_squeeze %dma_start3A_211 : memref<1x128x128xf32, #tpu.memory_space<vmem>> -> memref<128x128xf32, #tpu.memory_space<vmem>>
        %dma_start3A_213 = arith.constant 0 : i32
        %dma_start3A_214 = tpu.memref_slice %arg11[%add3A_207, %dma_start3A_213] : memref<40x128xi32, #tpu.memory_space<vmem>> -> memref<1x128xi32, #tpu.memory_space<vmem>>
        %dma_start3A_215 = tpu.memref_squeeze %dma_start3A_214 : memref<1x128xi32, #tpu.memory_space<vmem>> -> memref<128xi32, #tpu.memory_space<vmem>>
        %dma_start3A_216 = arith.constant 0 : i32
        %dma_start3A_217 = arith.constant 0 : i32
        %dma_start3A_218 = tpu.memref_slice %arg3[%dma_start3A_216, %dma_start3A_217] : memref<10240x128xf32, #tpu.memory_space<hbm>> -> memref<10240x128xf32, #tpu.memory_space<hbm>>
        tpu.enqueue_indirect_dma source(%dma_start3A_218 : memref<10240x128xf32, #tpu.memory_space<hbm>>) target(%dma_start3A_212 : memref<128x128xf32, #tpu.memory_space<vmem>>) offsets(%dma_start3A_215 : memref<128xi32, #tpu.memory_space<vmem>>) semaphore(%arg15 : memref<!tpu.dma_semaphore, #tpu.memory_space<semaphore_mem>>)
        %add3A_219 = arith.constant 2 : i32
        %add3A_220 = arith.addi %add3A_172, %add3A_219 : i32
        %dma_start3A_221 = arith.constant 1 : i32
        %dma_start3A_222 = arith.constant 0 : i32
        %dma_start3A_223 = tpu.memref_slice %arg14[%dma_start3A_221, %dma_start3A_222] : memref<2x128xf32, #tpu.memory_space<vmem>> -> memref<1x128xf32, #tpu.memory_space<vmem>>
        %dma_start3A_224 = tpu.memref_squeeze %dma_start3A_223 : memref<1x128xf32, #tpu.memory_space<vmem>> -> memref<128xf32, #tpu.memory_space<vmem>>
        %dma_start3A_225 = arith.constant 0 : i32
        %dma_start3A_226 = tpu.memref_slice %arg12[%add3A_220, %dma_start3A_225] : memref<40x128xi32, #tpu.memory_space<vmem>> -> memref<1x128xi32, #tpu.memory_space<vmem>>
        %dma_start3A_227 = tpu.memref_squeeze %dma_start3A_226 : memref<1x128xi32, #tpu.memory_space<vmem>> -> memref<128xi32, #tpu.memory_space<vmem>>
        %dma_start3A_228 = arith.constant 0 : i32
        %dma_start3A_229 = tpu.memref_slice %arg4[%dma_start3A_228] : memref<10240xf32, #tpu.memory_space<hbm>> -> memref<10240xf32, #tpu.memory_space<hbm>>
        tpu.enqueue_indirect_dma source(%dma_start3A_229 : memref<10240xf32, #tpu.memory_space<hbm>>) target(%dma_start3A_224 : memref<128xf32, #tpu.memory_space<vmem>>) offsets(%dma_start3A_227 : memref<128xi32, #tpu.memory_space<vmem>>) semaphore(%arg16 : memref<!tpu.dma_semaphore, #tpu.memory_space<semaphore_mem>>)
      } else {
      }
    }
    %scan3A_66 = arith.constant 20 : i32
    %mul3A_67 = arith.constant 80 : i32
    %mul3A_68 = arith.muli %add3A, %mul3A_67 : i32
    %add3A_69 = arith.constant 40 : i32
    %add3A_70 = arith.addi %mul3A_68, %add3A_69 : i32
    "tpu.region"() ({
      %run_scoped3A = tpu.sem_alloc : memref<!tpu.dma_semaphore, #tpu.memory_space<semaphore_mem>>
      %dma_start3A_136 = arith.constant 0 : i32
      %dma_start3A_137 = tpu.memref_slice %arg2[%add3A_70, %dma_start3A_136] : memref<5120x128xi32, #tpu.memory_space<hbm>> -> memref<40x128xi32, #tpu.memory_space<hbm>>
      %dma_start3A_138 = arith.constant 0 : i32
      %dma_start3A_139 = tpu.memref_slice %arg2[%add3A_70, %dma_start3A_138] : memref<5120x128xi32, #tpu.memory_space<hbm>> -> memref<40x128xi32, #tpu.memory_space<hbm>>
      tpu.enqueue_dma source(%dma_start3A_139 : memref<40x128xi32, #tpu.memory_space<hbm>>) target(%arg11 : memref<40x128xi32, #tpu.memory_space<vmem>>) target_semaphore(%run_scoped3A : memref<!tpu.dma_semaphore, #tpu.memory_space<semaphore_mem>>)
      %dma_wait3A = arith.constant 0 : i32
      %dma_wait3A_140 = tpu.memref_slice %arg2[%add3A_70, %dma_wait3A] : memref<5120x128xi32, #tpu.memory_space<hbm>> -> memref<40x128xi32, #tpu.memory_space<hbm>>
      %dma_wait3A_141 = arith.constant 0 : i32
      %dma_wait3A_142 = tpu.memref_slice %arg2[%add3A_70, %dma_wait3A_141] : memref<5120x128xi32, #tpu.memory_space<hbm>> -> memref<40x128xi32, #tpu.memory_space<hbm>>
      tpu.wait_dma2 semaphore(%run_scoped3A : memref<!tpu.dma_semaphore, #tpu.memory_space<semaphore_mem>>) src(%dma_wait3A_142 : memref<40x128xi32, #tpu.memory_space<hbm>>) dst(%arg11 : memref<40x128xi32, #tpu.memory_space<vmem>>)
      tpu.yield
    }) : () -> ()
    %mul3A_71 = arith.constant 80 : i32
    %mul3A_72 = arith.muli %add3A, %mul3A_71 : i32
    %add3A_73 = arith.constant 2560 : i32
    %add3A_74 = arith.addi %add3A_73, %mul3A_72 : i32
    %add3A_75 = arith.constant 40 : i32
    %add3A_76 = arith.addi %add3A_74, %add3A_75 : i32
    "tpu.region"() ({
      %run_scoped3A = tpu.sem_alloc : memref<!tpu.dma_semaphore, #tpu.memory_space<semaphore_mem>>
      %dma_start3A_136 = arith.constant 0 : i32
      %dma_start3A_137 = tpu.memref_slice %arg2[%add3A_76, %dma_start3A_136] : memref<5120x128xi32, #tpu.memory_space<hbm>> -> memref<40x128xi32, #tpu.memory_space<hbm>>
      %dma_start3A_138 = arith.constant 0 : i32
      %dma_start3A_139 = tpu.memref_slice %arg2[%add3A_76, %dma_start3A_138] : memref<5120x128xi32, #tpu.memory_space<hbm>> -> memref<40x128xi32, #tpu.memory_space<hbm>>
      tpu.enqueue_dma source(%dma_start3A_139 : memref<40x128xi32, #tpu.memory_space<hbm>>) target(%arg12 : memref<40x128xi32, #tpu.memory_space<vmem>>) target_semaphore(%run_scoped3A : memref<!tpu.dma_semaphore, #tpu.memory_space<semaphore_mem>>)
      %dma_wait3A = arith.constant 0 : i32
      %dma_wait3A_140 = tpu.memref_slice %arg2[%add3A_76, %dma_wait3A] : memref<5120x128xi32, #tpu.memory_space<hbm>> -> memref<40x128xi32, #tpu.memory_space<hbm>>
      %dma_wait3A_141 = arith.constant 0 : i32
      %dma_wait3A_142 = tpu.memref_slice %arg2[%add3A_76, %dma_wait3A_141] : memref<5120x128xi32, #tpu.memory_space<hbm>> -> memref<40x128xi32, #tpu.memory_space<hbm>>
      tpu.wait_dma2 semaphore(%run_scoped3A : memref<!tpu.dma_semaphore, #tpu.memory_space<semaphore_mem>>) src(%dma_wait3A_142 : memref<40x128xi32, #tpu.memory_space<hbm>>) dst(%arg12 : memref<40x128xi32, #tpu.memory_space<vmem>>)
      tpu.yield
    }) : () -> ()
    %dma_start3A_77 = arith.constant 0 : i32
    %dma_start3A_78 = arith.constant 0 : i32
    %dma_start3A_79 = arith.constant 0 : i32
    %dma_start3A_80 = arith.constant 0 : i32
    %dma_start3A_81 = tpu.memref_slice %arg13[%dma_start3A_78, %dma_start3A_79, %dma_start3A_80] : memref<2x128x128xf32, #tpu.memory_space<vmem>> -> memref<1x128x128xf32, #tpu.memory_space<vmem>>
    %dma_start3A_82 = tpu.memref_squeeze %dma_start3A_81 : memref<1x128x128xf32, #tpu.memory_space<vmem>> -> memref<128x128xf32, #tpu.memory_space<vmem>>
    %dma_start3A_83 = arith.constant 0 : i32
    %dma_start3A_84 = tpu.memref_slice %arg11[%dma_start3A_77, %dma_start3A_83] : memref<40x128xi32, #tpu.memory_space<vmem>> -> memref<1x128xi32, #tpu.memory_space<vmem>>
    %dma_start3A_85 = tpu.memref_squeeze %dma_start3A_84 : memref<1x128xi32, #tpu.memory_space<vmem>> -> memref<128xi32, #tpu.memory_space<vmem>>
    %dma_start3A_86 = arith.constant 0 : i32
    %dma_start3A_87 = arith.constant 0 : i32
    %dma_start3A_88 = tpu.memref_slice %arg3[%dma_start3A_86, %dma_start3A_87] : memref<10240x128xf32, #tpu.memory_space<hbm>> -> memref<10240x128xf32, #tpu.memory_space<hbm>>
    tpu.enqueue_indirect_dma source(%dma_start3A_88 : memref<10240x128xf32, #tpu.memory_space<hbm>>) target(%dma_start3A_82 : memref<128x128xf32, #tpu.memory_space<vmem>>) offsets(%dma_start3A_85 : memref<128xi32, #tpu.memory_space<vmem>>) semaphore(%arg15 : memref<!tpu.dma_semaphore, #tpu.memory_space<semaphore_mem>>)
    %dma_start3A_89 = arith.constant 0 : i32
    %dma_start3A_90 = arith.constant 0 : i32
    %dma_start3A_91 = arith.constant 0 : i32
    %dma_start3A_92 = tpu.memref_slice %arg14[%dma_start3A_90, %dma_start3A_91] : memref<2x128xf32, #tpu.memory_space<vmem>> -> memref<1x128xf32, #tpu.memory_space<vmem>>
    %dma_start3A_93 = tpu.memref_squeeze %dma_start3A_92 : memref<1x128xf32, #tpu.memory_space<vmem>> -> memref<128xf32, #tpu.memory_space<vmem>>
    %dma_start3A_94 = arith.constant 0 : i32
    %dma_start3A_95 = tpu.memref_slice %arg12[%dma_start3A_89, %dma_start3A_94] : memref<40x128xi32, #tpu.memory_space<vmem>> -> memref<1x128xi32, #tpu.memory_space<vmem>>
    %dma_start3A_96 = tpu.memref_squeeze %dma_start3A_95 : memref<1x128xi32, #tpu.memory_space<vmem>> -> memref<128xi32, #tpu.memory_space<vmem>>
    %dma_start3A_97 = arith.constant 0 : i32
    %dma_start3A_98 = tpu.memref_slice %arg4[%dma_start3A_97] : memref<10240xf32, #tpu.memory_space<hbm>> -> memref<10240xf32, #tpu.memory_space<hbm>>
    tpu.enqueue_indirect_dma source(%dma_start3A_98 : memref<10240xf32, #tpu.memory_space<hbm>>) target(%dma_start3A_93 : memref<128xf32, #tpu.memory_space<vmem>>) offsets(%dma_start3A_96 : memref<128xi32, #tpu.memory_space<vmem>>) semaphore(%arg16 : memref<!tpu.dma_semaphore, #tpu.memory_space<semaphore_mem>>)
    %dma_start3A_99 = arith.constant 1 : i32
    %dma_start3A_100 = arith.constant 1 : i32
    %dma_start3A_101 = arith.constant 0 : i32
    %dma_start3A_102 = arith.constant 0 : i32
    %dma_start3A_103 = tpu.memref_slice %arg13[%dma_start3A_100, %dma_start3A_101, %dma_start3A_102] : memref<2x128x128xf32, #tpu.memory_space<vmem>> -> memref<1x128x128xf32, #tpu.memory_space<vmem>>
    %dma_start3A_104 = tpu.memref_squeeze %dma_start3A_103 : memref<1x128x128xf32, #tpu.memory_space<vmem>> -> memref<128x128xf32, #tpu.memory_space<vmem>>
    %dma_start3A_105 = arith.constant 0 : i32
    %dma_start3A_106 = tpu.memref_slice %arg11[%dma_start3A_99, %dma_start3A_105] : memref<40x128xi32, #tpu.memory_space<vmem>> -> memref<1x128xi32, #tpu.memory_space<vmem>>
    %dma_start3A_107 = tpu.memref_squeeze %dma_start3A_106 : memref<1x128xi32, #tpu.memory_space<vmem>> -> memref<128xi32, #tpu.memory_space<vmem>>
    %dma_start3A_108 = arith.constant 0 : i32
    %dma_start3A_109 = arith.constant 0 : i32
    %dma_start3A_110 = tpu.memref_slice %arg3[%dma_start3A_108, %dma_start3A_109] : memref<10240x128xf32, #tpu.memory_space<hbm>> -> memref<10240x128xf32, #tpu.memory_space<hbm>>
    tpu.enqueue_indirect_dma source(%dma_start3A_110 : memref<10240x128xf32, #tpu.memory_space<hbm>>) target(%dma_start3A_104 : memref<128x128xf32, #tpu.memory_space<vmem>>) offsets(%dma_start3A_107 : memref<128xi32, #tpu.memory_space<vmem>>) semaphore(%arg15 : memref<!tpu.dma_semaphore, #tpu.memory_space<semaphore_mem>>)
    %dma_start3A_111 = arith.constant 1 : i32
    %dma_start3A_112 = arith.constant 1 : i32
    %dma_start3A_113 = arith.constant 0 : i32
    %dma_start3A_114 = tpu.memref_slice %arg14[%dma_start3A_112, %dma_start3A_113] : memref<2x128xf32, #tpu.memory_space<vmem>> -> memref<1x128xf32, #tpu.memory_space<vmem>>
    %dma_start3A_115 = tpu.memref_squeeze %dma_start3A_114 : memref<1x128xf32, #tpu.memory_space<vmem>> -> memref<128xf32, #tpu.memory_space<vmem>>
    %dma_start3A_116 = arith.constant 0 : i32
    %dma_start3A_117 = tpu.memref_slice %arg12[%dma_start3A_111, %dma_start3A_116] : memref<40x128xi32, #tpu.memory_space<vmem>> -> memref<1x128xi32, #tpu.memory_space<vmem>>
    %dma_start3A_118 = tpu.memref_squeeze %dma_start3A_117 : memref<1x128xi32, #tpu.memory_space<vmem>> -> memref<128xi32, #tpu.memory_space<vmem>>
    %dma_start3A_119 = arith.constant 0 : i32
    %dma_start3A_120 = tpu.memref_slice %arg4[%dma_start3A_119] : memref<10240xf32, #tpu.memory_space<hbm>> -> memref<10240xf32, #tpu.memory_space<hbm>>
    tpu.enqueue_indirect_dma source(%dma_start3A_120 : memref<10240xf32, #tpu.memory_space<hbm>>) target(%dma_start3A_115 : memref<128xf32, #tpu.memory_space<vmem>>) offsets(%dma_start3A_118 : memref<128xi32, #tpu.memory_space<vmem>>) semaphore(%arg16 : memref<!tpu.dma_semaphore, #tpu.memory_space<semaphore_mem>>)
    %scan3A_121 = arith.constant 0 : i32
    %scan3A_122 = arith.constant 0 : i32
    %scan3A_123 = arith.constant 20 : i32
    %scan3A_124 = arith.addi %scan3A_122, %scan3A_123 : i32
    %scan3A_125 = arith.constant 1 : i32
    scf.for %scan3A_136 = %scan3A_122 to %scan3A_124 step %scan3A_125  : i32 {
      %mul3A_137 = arith.constant 2 : i32
      %mul3A_138 = arith.muli %scan3A_136, %mul3A_137 : i32
      %add3A_139 = arith.constant 0 : i32
      %add3A_140 = arith.addi %mul3A_138, %add3A_139 : i32
      %dma_wait3A = arith.constant 0 : i32
      %dma_wait3A_141 = arith.constant 0 : i32
      %dma_wait3A_142 = arith.constant 0 : i32
      %dma_wait3A_143 = tpu.memref_slice %arg13[%dma_wait3A, %dma_wait3A_141, %dma_wait3A_142] : memref<2x128x128xf32, #tpu.memory_space<vmem>> -> memref<1x128x128xf32, #tpu.memory_space<vmem>>
      %dma_wait3A_144 = tpu.memref_squeeze %dma_wait3A_143 : memref<1x128x128xf32, #tpu.memory_space<vmem>> -> memref<128x128xf32, #tpu.memory_space<vmem>>
      %dma_wait3A_145 = arith.constant 0 : i32
      %dma_wait3A_146 = arith.constant 0 : i32
      %dma_wait3A_147 = tpu.memref_slice %arg3[%dma_wait3A_145, %dma_wait3A_146] : memref<10240x128xf32, #tpu.memory_space<hbm>> -> memref<128x128xf32, #tpu.memory_space<hbm>>
      %dma_wait3A_148 = arith.constant 0 : i32
      %dma_wait3A_149 = arith.constant 0 : i32
      %dma_wait3A_150 = tpu.memref_slice %arg13[%dma_wait3A, %dma_wait3A_148, %dma_wait3A_149] : memref<2x128x128xf32, #tpu.memory_space<vmem>> -> memref<1x128x128xf32, #tpu.memory_space<vmem>>
      %dma_wait3A_151 = tpu.memref_squeeze %dma_wait3A_150 : memref<1x128x128xf32, #tpu.memory_space<vmem>> -> memref<128x128xf32, #tpu.memory_space<vmem>>
      %dma_wait3A_152 = arith.constant 0 : i32
      %dma_wait3A_153 = arith.constant 0 : i32
      %dma_wait3A_154 = tpu.memref_slice %arg3[%dma_wait3A_152, %dma_wait3A_153] : memref<10240x128xf32, #tpu.memory_space<hbm>> -> memref<128x128xf32, #tpu.memory_space<hbm>>
      tpu.wait_dma2 semaphore(%arg15 : memref<!tpu.dma_semaphore, #tpu.memory_space<semaphore_mem>>) src(%dma_wait3A_154 : memref<128x128xf32, #tpu.memory_space<hbm>>) dst(%dma_wait3A_151 : memref<128x128xf32, #tpu.memory_space<vmem>>)
      %run_scoped3A = arith.constant 0 : i32
      "tpu.region"() ({
        %run_scoped3A_206 = tpu.sem_alloc : memref<!tpu.dma_semaphore, #tpu.memory_space<semaphore_mem>>
        %dma_start3A_207 = arith.constant 0 : i32
        %dma_start3A_208 = arith.constant 0 : i32
        %dma_start3A_209 = tpu.memref_slice %arg13[%run_scoped3A, %dma_start3A_207, %dma_start3A_208] : memref<2x128x128xf32, #tpu.memory_space<vmem>> -> memref<1x128x128xf32, #tpu.memory_space<vmem>>
        %dma_start3A_210 = tpu.memref_squeeze %dma_start3A_209 : memref<1x128x128xf32, #tpu.memory_space<vmem>> -> memref<128x128xf32, #tpu.memory_space<vmem>>
        %dma_start3A_211 = arith.constant 0 : i32
        %dma_start3A_212 = tpu.memref_slice %arg12[%add3A_140, %dma_start3A_211] : memref<40x128xi32, #tpu.memory_space<vmem>> -> memref<1x128xi32, #tpu.memory_space<vmem>>
        %dma_start3A_213 = tpu.memref_squeeze %dma_start3A_212 : memref<1x128xi32, #tpu.memory_space<vmem>> -> memref<128xi32, #tpu.memory_space<vmem>>
        %dma_start3A_214 = arith.constant 0 : i32
        %dma_start3A_215 = arith.constant 0 : i32
        %dma_start3A_216 = tpu.memref_slice %arg9[%dma_start3A_214, %dma_start3A_215] : memref<10240x128xf32, #tpu.memory_space<vmem_shared>> -> memref<10240x128xf32, #tpu.memory_space<vmem_shared>>
        tpu.enqueue_indirect_dma source(%dma_start3A_210 : memref<128x128xf32, #tpu.memory_space<vmem>>) target(%dma_start3A_216 : memref<10240x128xf32, #tpu.memory_space<vmem_shared>>) offsets(%dma_start3A_213 : memref<128xi32, #tpu.memory_space<vmem>>) semaphore(%run_scoped3A_206 : memref<!tpu.dma_semaphore, #tpu.memory_space<semaphore_mem>>) {add = true}
        %dma_wait3A_217 = arith.constant 0 : i32
        %dma_wait3A_218 = arith.constant 0 : i32
        %dma_wait3A_219 = tpu.memref_slice %arg13[%run_scoped3A, %dma_wait3A_217, %dma_wait3A_218] : memref<2x128x128xf32, #tpu.memory_space<vmem>> -> memref<1x128x128xf32, #tpu.memory_space<vmem>>
        %dma_wait3A_220 = tpu.memref_squeeze %dma_wait3A_219 : memref<1x128x128xf32, #tpu.memory_space<vmem>> -> memref<128x128xf32, #tpu.memory_space<vmem>>
        %dma_wait3A_221 = arith.constant 0 : i32
        %dma_wait3A_222 = tpu.memref_slice %arg12[%add3A_140, %dma_wait3A_221] : memref<40x128xi32, #tpu.memory_space<vmem>> -> memref<1x128xi32, #tpu.memory_space<vmem>>
        %dma_wait3A_223 = tpu.memref_squeeze %dma_wait3A_222 : memref<1x128xi32, #tpu.memory_space<vmem>> -> memref<128xi32, #tpu.memory_space<vmem>>
        %dma_wait3A_224 = arith.constant 0 : i32
        %dma_wait3A_225 = arith.constant 0 : i32
        %dma_wait3A_226 = tpu.memref_slice %arg9[%dma_wait3A_224, %dma_wait3A_225] : memref<10240x128xf32, #tpu.memory_space<vmem_shared>> -> memref<10240x128xf32, #tpu.memory_space<vmem_shared>>
        tpu.wait_indirect_dma semaphore(%run_scoped3A_206 : memref<!tpu.dma_semaphore, #tpu.memory_space<semaphore_mem>>) src(%dma_wait3A_220 : memref<128x128xf32, #tpu.memory_space<vmem>>) dst(%dma_wait3A_226 : memref<10240x128xf32, #tpu.memory_space<vmem_shared>>)
        tpu.yield
      }) : () -> ()
      %dma_wait3A_155 = arith.constant 0 : i32
      %dma_wait3A_156 = arith.constant 0 : i32
      %dma_wait3A_157 = tpu.memref_slice %arg14[%dma_wait3A_155, %dma_wait3A_156] : memref<2x128xf32, #tpu.memory_space<vmem>> -> memref<1x128xf32, #tpu.memory_space<vmem>>
      %dma_wait3A_158 = tpu.memref_squeeze %dma_wait3A_157 : memref<1x128xf32, #tpu.memory_space<vmem>> -> memref<128xf32, #tpu.memory_space<vmem>>
      %dma_wait3A_159 = arith.constant 0 : i32
      %dma_wait3A_160 = tpu.memref_slice %arg4[%dma_wait3A_159] : memref<10240xf32, #tpu.memory_space<hbm>> -> memref<128xf32, #tpu.memory_space<hbm>>
      %dma_wait3A_161 = arith.constant 0 : i32
      %dma_wait3A_162 = tpu.memref_slice %arg14[%dma_wait3A_155, %dma_wait3A_161] : memref<2x128xf32, #tpu.memory_space<vmem>> -> memref<1x128xf32, #tpu.memory_space<vmem>>
      %dma_wait3A_163 = tpu.memref_squeeze %dma_wait3A_162 : memref<1x128xf32, #tpu.memory_space<vmem>> -> memref<128xf32, #tpu.memory_space<vmem>>
      %dma_wait3A_164 = arith.constant 0 : i32
      %dma_wait3A_165 = tpu.memref_slice %arg4[%dma_wait3A_164] : memref<10240xf32, #tpu.memory_space<hbm>> -> memref<128xf32, #tpu.memory_space<hbm>>
      tpu.wait_dma2 semaphore(%arg16 : memref<!tpu.dma_semaphore, #tpu.memory_space<semaphore_mem>>) src(%dma_wait3A_165 : memref<128xf32, #tpu.memory_space<hbm>>) dst(%dma_wait3A_163 : memref<128xf32, #tpu.memory_space<vmem>>)
      %run_scoped3A_166 = arith.constant 0 : i32
      "tpu.region"() ({
        %run_scoped3A_206 = tpu.sem_alloc : memref<!tpu.dma_semaphore, #tpu.memory_space<semaphore_mem>>
        %dma_start3A_207 = arith.constant 0 : i32
        %dma_start3A_208 = tpu.memref_slice %arg14[%run_scoped3A_166, %dma_start3A_207] : memref<2x128xf32, #tpu.memory_space<vmem>> -> memref<1x128xf32, #tpu.memory_space<vmem>>
        %dma_start3A_209 = tpu.memref_squeeze %dma_start3A_208 : memref<1x128xf32, #tpu.memory_space<vmem>> -> memref<128xf32, #tpu.memory_space<vmem>>
        %dma_start3A_210 = arith.constant 0 : i32
        %dma_start3A_211 = tpu.memref_slice %arg11[%add3A_140, %dma_start3A_210] : memref<40x128xi32, #tpu.memory_space<vmem>> -> memref<1x128xi32, #tpu.memory_space<vmem>>
        %dma_start3A_212 = tpu.memref_squeeze %dma_start3A_211 : memref<1x128xi32, #tpu.memory_space<vmem>> -> memref<128xi32, #tpu.memory_space<vmem>>
        %dma_start3A_213 = arith.constant 0 : i32
        %dma_start3A_214 = tpu.memref_slice %arg10[%dma_start3A_213] : memref<10240xf32, #tpu.memory_space<vmem_shared>> -> memref<10240xf32, #tpu.memory_space<vmem_shared>>
        tpu.enqueue_indirect_dma source(%dma_start3A_209 : memref<128xf32, #tpu.memory_space<vmem>>) target(%dma_start3A_214 : memref<10240xf32, #tpu.memory_space<vmem_shared>>) offsets(%dma_start3A_212 : memref<128xi32, #tpu.memory_space<vmem>>) semaphore(%run_scoped3A_206 : memref<!tpu.dma_semaphore, #tpu.memory_space<semaphore_mem>>) {add = true}
        %dma_wait3A_215 = arith.constant 0 : i32
        %dma_wait3A_216 = tpu.memref_slice %arg14[%run_scoped3A_166, %dma_wait3A_215] : memref<2x128xf32, #tpu.memory_space<vmem>> -> memref<1x128xf32, #tpu.memory_space<vmem>>
        %dma_wait3A_217 = tpu.memref_squeeze %dma_wait3A_216 : memref<1x128xf32, #tpu.memory_space<vmem>> -> memref<128xf32, #tpu.memory_space<vmem>>
        %dma_wait3A_218 = arith.constant 0 : i32
        %dma_wait3A_219 = tpu.memref_slice %arg11[%add3A_140, %dma_wait3A_218] : memref<40x128xi32, #tpu.memory_space<vmem>> -> memref<1x128xi32, #tpu.memory_space<vmem>>
        %dma_wait3A_220 = tpu.memref_squeeze %dma_wait3A_219 : memref<1x128xi32, #tpu.memory_space<vmem>> -> memref<128xi32, #tpu.memory_space<vmem>>
        %dma_wait3A_221 = arith.constant 0 : i32
        %dma_wait3A_222 = tpu.memref_slice %arg10[%dma_wait3A_221] : memref<10240xf32, #tpu.memory_space<vmem_shared>> -> memref<10240xf32, #tpu.memory_space<vmem_shared>>
        tpu.wait_indirect_dma semaphore(%run_scoped3A_206 : memref<!tpu.dma_semaphore, #tpu.memory_space<semaphore_mem>>) src(%dma_wait3A_217 : memref<128xf32, #tpu.memory_space<vmem>>) dst(%dma_wait3A_222 : memref<10240xf32, #tpu.memory_space<vmem_shared>>)
        tpu.yield
      }) : () -> ()
      %lt3A = arith.constant 19 : i32
      %lt3A_167 = arith.cmpi slt, %scan3A_136, %lt3A : i32
      %convert_element_type3A = arith.extui %lt3A_167 : i1 to i32
      %cond3A = arith.constant 0 : i32
      %cond3A_168 = arith.cmpi ne, %convert_element_type3A, %cond3A : i32
      scf.if %cond3A_168 {
        %add3A_206 = arith.constant 2 : i32
        %add3A_207 = arith.addi %add3A_140, %add3A_206 : i32
        %dma_start3A_208 = arith.constant 0 : i32
        %dma_start3A_209 = arith.constant 0 : i32
        %dma_start3A_210 = arith.constant 0 : i32
        %dma_start3A_211 = tpu.memref_slice %arg13[%dma_start3A_208, %dma_start3A_209, %dma_start3A_210] : memref<2x128x128xf32, #tpu.memory_space<vmem>> -> memref<1x128x128xf32, #tpu.memory_space<vmem>>
        %dma_start3A_212 = tpu.memref_squeeze %dma_start3A_211 : memref<1x128x128xf32, #tpu.memory_space<vmem>> -> memref<128x128xf32, #tpu.memory_space<vmem>>
        %dma_start3A_213 = arith.constant 0 : i32
        %dma_start3A_214 = tpu.memref_slice %arg11[%add3A_207, %dma_start3A_213] : memref<40x128xi32, #tpu.memory_space<vmem>> -> memref<1x128xi32, #tpu.memory_space<vmem>>
        %dma_start3A_215 = tpu.memref_squeeze %dma_start3A_214 : memref<1x128xi32, #tpu.memory_space<vmem>> -> memref<128xi32, #tpu.memory_space<vmem>>
        %dma_start3A_216 = arith.constant 0 : i32
        %dma_start3A_217 = arith.constant 0 : i32
        %dma_start3A_218 = tpu.memref_slice %arg3[%dma_start3A_216, %dma_start3A_217] : memref<10240x128xf32, #tpu.memory_space<hbm>> -> memref<10240x128xf32, #tpu.memory_space<hbm>>
        tpu.enqueue_indirect_dma source(%dma_start3A_218 : memref<10240x128xf32, #tpu.memory_space<hbm>>) target(%dma_start3A_212 : memref<128x128xf32, #tpu.memory_space<vmem>>) offsets(%dma_start3A_215 : memref<128xi32, #tpu.memory_space<vmem>>) semaphore(%arg15 : memref<!tpu.dma_semaphore, #tpu.memory_space<semaphore_mem>>)
        %add3A_219 = arith.constant 2 : i32
        %add3A_220 = arith.addi %add3A_140, %add3A_219 : i32
        %dma_start3A_221 = arith.constant 0 : i32
        %dma_start3A_222 = arith.constant 0 : i32
        %dma_start3A_223 = tpu.memref_slice %arg14[%dma_start3A_221, %dma_start3A_222] : memref<2x128xf32, #tpu.memory_space<vmem>> -> memref<1x128xf32, #tpu.memory_space<vmem>>
        %dma_start3A_224 = tpu.memref_squeeze %dma_start3A_223 : memref<1x128xf32, #tpu.memory_space<vmem>> -> memref<128xf32, #tpu.memory_space<vmem>>
        %dma_start3A_225 = arith.constant 0 : i32
        %dma_start3A_226 = tpu.memref_slice %arg12[%add3A_220, %dma_start3A_225] : memref<40x128xi32, #tpu.memory_space<vmem>> -> memref<1x128xi32, #tpu.memory_space<vmem>>
        %dma_start3A_227 = tpu.memref_squeeze %dma_start3A_226 : memref<1x128xi32, #tpu.memory_space<vmem>> -> memref<128xi32, #tpu.memory_space<vmem>>
        %dma_start3A_228 = arith.constant 0 : i32
        %dma_start3A_229 = tpu.memref_slice %arg4[%dma_start3A_228] : memref<10240xf32, #tpu.memory_space<hbm>> -> memref<10240xf32, #tpu.memory_space<hbm>>
        tpu.enqueue_indirect_dma source(%dma_start3A_229 : memref<10240xf32, #tpu.memory_space<hbm>>) target(%dma_start3A_224 : memref<128xf32, #tpu.memory_space<vmem>>) offsets(%dma_start3A_227 : memref<128xi32, #tpu.memory_space<vmem>>) semaphore(%arg16 : memref<!tpu.dma_semaphore, #tpu.memory_space<semaphore_mem>>)
      } else {
      }
      %mul3A_169 = arith.constant 2 : i32
      %mul3A_170 = arith.muli %scan3A_136, %mul3A_169 : i32
      %add3A_171 = arith.constant 1 : i32
      %add3A_172 = arith.addi %mul3A_170, %add3A_171 : i32
      %dma_wait3A_173 = arith.constant 1 : i32
      %dma_wait3A_174 = arith.constant 0 : i32
      %dma_wait3A_175 = arith.constant 0 : i32
      %dma_wait3A_176 = tpu.memref_slice %arg13[%dma_wait3A_173, %dma_wait3A_174, %dma_wait3A_175] : memref<2x128x128xf32, #tpu.memory_space<vmem>> -> memref<1x128x128xf32, #tpu.memory_space<vmem>>
      %dma_wait3A_177 = tpu.memref_squeeze %dma_wait3A_176 : memref<1x128x128xf32, #tpu.memory_space<vmem>> -> memref<128x128xf32, #tpu.memory_space<vmem>>
      %dma_wait3A_178 = arith.constant 0 : i32
      %dma_wait3A_179 = arith.constant 0 : i32
      %dma_wait3A_180 = tpu.memref_slice %arg3[%dma_wait3A_178, %dma_wait3A_179] : memref<10240x128xf32, #tpu.memory_space<hbm>> -> memref<128x128xf32, #tpu.memory_space<hbm>>
      %dma_wait3A_181 = arith.constant 0 : i32
      %dma_wait3A_182 = arith.constant 0 : i32
      %dma_wait3A_183 = tpu.memref_slice %arg13[%dma_wait3A_173, %dma_wait3A_181, %dma_wait3A_182] : memref<2x128x128xf32, #tpu.memory_space<vmem>> -> memref<1x128x128xf32, #tpu.memory_space<vmem>>
      %dma_wait3A_184 = tpu.memref_squeeze %dma_wait3A_183 : memref<1x128x128xf32, #tpu.memory_space<vmem>> -> memref<128x128xf32, #tpu.memory_space<vmem>>
      %dma_wait3A_185 = arith.constant 0 : i32
      %dma_wait3A_186 = arith.constant 0 : i32
      %dma_wait3A_187 = tpu.memref_slice %arg3[%dma_wait3A_185, %dma_wait3A_186] : memref<10240x128xf32, #tpu.memory_space<hbm>> -> memref<128x128xf32, #tpu.memory_space<hbm>>
      tpu.wait_dma2 semaphore(%arg15 : memref<!tpu.dma_semaphore, #tpu.memory_space<semaphore_mem>>) src(%dma_wait3A_187 : memref<128x128xf32, #tpu.memory_space<hbm>>) dst(%dma_wait3A_184 : memref<128x128xf32, #tpu.memory_space<vmem>>)
      %run_scoped3A_188 = arith.constant 1 : i32
      "tpu.region"() ({
        %run_scoped3A_206 = tpu.sem_alloc : memref<!tpu.dma_semaphore, #tpu.memory_space<semaphore_mem>>
        %dma_start3A_207 = arith.constant 0 : i32
        %dma_start3A_208 = arith.constant 0 : i32
        %dma_start3A_209 = tpu.memref_slice %arg13[%run_scoped3A_188, %dma_start3A_207, %dma_start3A_208] : memref<2x128x128xf32, #tpu.memory_space<vmem>> -> memref<1x128x128xf32, #tpu.memory_space<vmem>>
        %dma_start3A_210 = tpu.memref_squeeze %dma_start3A_209 : memref<1x128x128xf32, #tpu.memory_space<vmem>> -> memref<128x128xf32, #tpu.memory_space<vmem>>
        %dma_start3A_211 = arith.constant 0 : i32
        %dma_start3A_212 = tpu.memref_slice %arg12[%add3A_172, %dma_start3A_211] : memref<40x128xi32, #tpu.memory_space<vmem>> -> memref<1x128xi32, #tpu.memory_space<vmem>>
        %dma_start3A_213 = tpu.memref_squeeze %dma_start3A_212 : memref<1x128xi32, #tpu.memory_space<vmem>> -> memref<128xi32, #tpu.memory_space<vmem>>
        %dma_start3A_214 = arith.constant 0 : i32
        %dma_start3A_215 = arith.constant 0 : i32
        %dma_start3A_216 = tpu.memref_slice %arg9[%dma_start3A_214, %dma_start3A_215] : memref<10240x128xf32, #tpu.memory_space<vmem_shared>> -> memref<10240x128xf32, #tpu.memory_space<vmem_shared>>
        tpu.enqueue_indirect_dma source(%dma_start3A_210 : memref<128x128xf32, #tpu.memory_space<vmem>>) target(%dma_start3A_216 : memref<10240x128xf32, #tpu.memory_space<vmem_shared>>) offsets(%dma_start3A_213 : memref<128xi32, #tpu.memory_space<vmem>>) semaphore(%run_scoped3A_206 : memref<!tpu.dma_semaphore, #tpu.memory_space<semaphore_mem>>) {add = true}
        %dma_wait3A_217 = arith.constant 0 : i32
        %dma_wait3A_218 = arith.constant 0 : i32
        %dma_wait3A_219 = tpu.memref_slice %arg13[%run_scoped3A_188, %dma_wait3A_217, %dma_wait3A_218] : memref<2x128x128xf32, #tpu.memory_space<vmem>> -> memref<1x128x128xf32, #tpu.memory_space<vmem>>
        %dma_wait3A_220 = tpu.memref_squeeze %dma_wait3A_219 : memref<1x128x128xf32, #tpu.memory_space<vmem>> -> memref<128x128xf32, #tpu.memory_space<vmem>>
        %dma_wait3A_221 = arith.constant 0 : i32
        %dma_wait3A_222 = tpu.memref_slice %arg12[%add3A_172, %dma_wait3A_221] : memref<40x128xi32, #tpu.memory_space<vmem>> -> memref<1x128xi32, #tpu.memory_space<vmem>>
        %dma_wait3A_223 = tpu.memref_squeeze %dma_wait3A_222 : memref<1x128xi32, #tpu.memory_space<vmem>> -> memref<128xi32, #tpu.memory_space<vmem>>
        %dma_wait3A_224 = arith.constant 0 : i32
        %dma_wait3A_225 = arith.constant 0 : i32
        %dma_wait3A_226 = tpu.memref_slice %arg9[%dma_wait3A_224, %dma_wait3A_225] : memref<10240x128xf32, #tpu.memory_space<vmem_shared>> -> memref<10240x128xf32, #tpu.memory_space<vmem_shared>>
        tpu.wait_indirect_dma semaphore(%run_scoped3A_206 : memref<!tpu.dma_semaphore, #tpu.memory_space<semaphore_mem>>) src(%dma_wait3A_220 : memref<128x128xf32, #tpu.memory_space<vmem>>) dst(%dma_wait3A_226 : memref<10240x128xf32, #tpu.memory_space<vmem_shared>>)
        tpu.yield
      }) : () -> ()
      %dma_wait3A_189 = arith.constant 1 : i32
      %dma_wait3A_190 = arith.constant 0 : i32
      %dma_wait3A_191 = tpu.memref_slice %arg14[%dma_wait3A_189, %dma_wait3A_190] : memref<2x128xf32, #tpu.memory_space<vmem>> -> memref<1x128xf32, #tpu.memory_space<vmem>>
      %dma_wait3A_192 = tpu.memref_squeeze %dma_wait3A_191 : memref<1x128xf32, #tpu.memory_space<vmem>> -> memref<128xf32, #tpu.memory_space<vmem>>
      %dma_wait3A_193 = arith.constant 0 : i32
      %dma_wait3A_194 = tpu.memref_slice %arg4[%dma_wait3A_193] : memref<10240xf32, #tpu.memory_space<hbm>> -> memref<128xf32, #tpu.memory_space<hbm>>
      %dma_wait3A_195 = arith.constant 0 : i32
      %dma_wait3A_196 = tpu.memref_slice %arg14[%dma_wait3A_189, %dma_wait3A_195] : memref<2x128xf32, #tpu.memory_space<vmem>> -> memref<1x128xf32, #tpu.memory_space<vmem>>
      %dma_wait3A_197 = tpu.memref_squeeze %dma_wait3A_196 : memref<1x128xf32, #tpu.memory_space<vmem>> -> memref<128xf32, #tpu.memory_space<vmem>>
      %dma_wait3A_198 = arith.constant 0 : i32
      %dma_wait3A_199 = tpu.memref_slice %arg4[%dma_wait3A_198] : memref<10240xf32, #tpu.memory_space<hbm>> -> memref<128xf32, #tpu.memory_space<hbm>>
      tpu.wait_dma2 semaphore(%arg16 : memref<!tpu.dma_semaphore, #tpu.memory_space<semaphore_mem>>) src(%dma_wait3A_199 : memref<128xf32, #tpu.memory_space<hbm>>) dst(%dma_wait3A_197 : memref<128xf32, #tpu.memory_space<vmem>>)
      %run_scoped3A_200 = arith.constant 1 : i32
      "tpu.region"() ({
        %run_scoped3A_206 = tpu.sem_alloc : memref<!tpu.dma_semaphore, #tpu.memory_space<semaphore_mem>>
        %dma_start3A_207 = arith.constant 0 : i32
        %dma_start3A_208 = tpu.memref_slice %arg14[%run_scoped3A_200, %dma_start3A_207] : memref<2x128xf32, #tpu.memory_space<vmem>> -> memref<1x128xf32, #tpu.memory_space<vmem>>
        %dma_start3A_209 = tpu.memref_squeeze %dma_start3A_208 : memref<1x128xf32, #tpu.memory_space<vmem>> -> memref<128xf32, #tpu.memory_space<vmem>>
        %dma_start3A_210 = arith.constant 0 : i32
        %dma_start3A_211 = tpu.memref_slice %arg11[%add3A_172, %dma_start3A_210] : memref<40x128xi32, #tpu.memory_space<vmem>> -> memref<1x128xi32, #tpu.memory_space<vmem>>
        %dma_start3A_212 = tpu.memref_squeeze %dma_start3A_211 : memref<1x128xi32, #tpu.memory_space<vmem>> -> memref<128xi32, #tpu.memory_space<vmem>>
        %dma_start3A_213 = arith.constant 0 : i32
        %dma_start3A_214 = tpu.memref_slice %arg10[%dma_start3A_213] : memref<10240xf32, #tpu.memory_space<vmem_shared>> -> memref<10240xf32, #tpu.memory_space<vmem_shared>>
        tpu.enqueue_indirect_dma source(%dma_start3A_209 : memref<128xf32, #tpu.memory_space<vmem>>) target(%dma_start3A_214 : memref<10240xf32, #tpu.memory_space<vmem_shared>>) offsets(%dma_start3A_212 : memref<128xi32, #tpu.memory_space<vmem>>) semaphore(%run_scoped3A_206 : memref<!tpu.dma_semaphore, #tpu.memory_space<semaphore_mem>>) {add = true}
        %dma_wait3A_215 = arith.constant 0 : i32
        %dma_wait3A_216 = tpu.memref_slice %arg14[%run_scoped3A_200, %dma_wait3A_215] : memref<2x128xf32, #tpu.memory_space<vmem>> -> memref<1x128xf32, #tpu.memory_space<vmem>>
        %dma_wait3A_217 = tpu.memref_squeeze %dma_wait3A_216 : memref<1x128xf32, #tpu.memory_space<vmem>> -> memref<128xf32, #tpu.memory_space<vmem>>
        %dma_wait3A_218 = arith.constant 0 : i32
        %dma_wait3A_219 = tpu.memref_slice %arg11[%add3A_172, %dma_wait3A_218] : memref<40x128xi32, #tpu.memory_space<vmem>> -> memref<1x128xi32, #tpu.memory_space<vmem>>
        %dma_wait3A_220 = tpu.memref_squeeze %dma_wait3A_219 : memref<1x128xi32, #tpu.memory_space<vmem>> -> memref<128xi32, #tpu.memory_space<vmem>>
        %dma_wait3A_221 = arith.constant 0 : i32
        %dma_wait3A_222 = tpu.memref_slice %arg10[%dma_wait3A_221] : memref<10240xf32, #tpu.memory_space<vmem_shared>> -> memref<10240xf32, #tpu.memory_space<vmem_shared>>
        tpu.wait_indirect_dma semaphore(%run_scoped3A_206 : memref<!tpu.dma_semaphore, #tpu.memory_space<semaphore_mem>>) src(%dma_wait3A_217 : memref<128xf32, #tpu.memory_space<vmem>>) dst(%dma_wait3A_222 : memref<10240xf32, #tpu.memory_space<vmem_shared>>)
        tpu.yield
      }) : () -> ()
      %lt3A_201 = arith.constant 19 : i32
      %lt3A_202 = arith.cmpi slt, %scan3A_136, %lt3A_201 : i32
      %convert_element_type3A_203 = arith.extui %lt3A_202 : i1 to i32
      %cond3A_204 = arith.constant 0 : i32
      %cond3A_205 = arith.cmpi ne, %convert_element_type3A_203, %cond3A_204 : i32
      scf.if %cond3A_205 {
        %add3A_206 = arith.constant 2 : i32
        %add3A_207 = arith.addi %add3A_172, %add3A_206 : i32
        %dma_start3A_208 = arith.constant 1 : i32
        %dma_start3A_209 = arith.constant 0 : i32
        %dma_start3A_210 = arith.constant 0 : i32
        %dma_start3A_211 = tpu.memref_slice %arg13[%dma_start3A_208, %dma_start3A_209, %dma_start3A_210] : memref<2x128x128xf32, #tpu.memory_space<vmem>> -> memref<1x128x128xf32, #tpu.memory_space<vmem>>
        %dma_start3A_212 = tpu.memref_squeeze %dma_start3A_211 : memref<1x128x128xf32, #tpu.memory_space<vmem>> -> memref<128x128xf32, #tpu.memory_space<vmem>>
        %dma_start3A_213 = arith.constant 0 : i32
        %dma_start3A_214 = tpu.memref_slice %arg11[%add3A_207, %dma_start3A_213] : memref<40x128xi32, #tpu.memory_space<vmem>> -> memref<1x128xi32, #tpu.memory_space<vmem>>
        %dma_start3A_215 = tpu.memref_squeeze %dma_start3A_214 : memref<1x128xi32, #tpu.memory_space<vmem>> -> memref<128xi32, #tpu.memory_space<vmem>>
        %dma_start3A_216 = arith.constant 0 : i32
        %dma_start3A_217 = arith.constant 0 : i32
        %dma_start3A_218 = tpu.memref_slice %arg3[%dma_start3A_216, %dma_start3A_217] : memref<10240x128xf32, #tpu.memory_space<hbm>> -> memref<10240x128xf32, #tpu.memory_space<hbm>>
        tpu.enqueue_indirect_dma source(%dma_start3A_218 : memref<10240x128xf32, #tpu.memory_space<hbm>>) target(%dma_start3A_212 : memref<128x128xf32, #tpu.memory_space<vmem>>) offsets(%dma_start3A_215 : memref<128xi32, #tpu.memory_space<vmem>>) semaphore(%arg15 : memref<!tpu.dma_semaphore, #tpu.memory_space<semaphore_mem>>)
        %add3A_219 = arith.constant 2 : i32
        %add3A_220 = arith.addi %add3A_172, %add3A_219 : i32
        %dma_start3A_221 = arith.constant 1 : i32
        %dma_start3A_222 = arith.constant 0 : i32
        %dma_start3A_223 = tpu.memref_slice %arg14[%dma_start3A_221, %dma_start3A_222] : memref<2x128xf32, #tpu.memory_space<vmem>> -> memref<1x128xf32, #tpu.memory_space<vmem>>
        %dma_start3A_224 = tpu.memref_squeeze %dma_start3A_223 : memref<1x128xf32, #tpu.memory_space<vmem>> -> memref<128xf32, #tpu.memory_space<vmem>>
        %dma_start3A_225 = arith.constant 0 : i32
        %dma_start3A_226 = tpu.memref_slice %arg12[%add3A_220, %dma_start3A_225] : memref<40x128xi32, #tpu.memory_space<vmem>> -> memref<1x128xi32, #tpu.memory_space<vmem>>
        %dma_start3A_227 = tpu.memref_squeeze %dma_start3A_226 : memref<1x128xi32, #tpu.memory_space<vmem>> -> memref<128xi32, #tpu.memory_space<vmem>>
        %dma_start3A_228 = arith.constant 0 : i32
        %dma_start3A_229 = tpu.memref_slice %arg4[%dma_start3A_228] : memref<10240xf32, #tpu.memory_space<hbm>> -> memref<10240xf32, #tpu.memory_space<hbm>>
        tpu.enqueue_indirect_dma source(%dma_start3A_229 : memref<10240xf32, #tpu.memory_space<hbm>>) target(%dma_start3A_224 : memref<128xf32, #tpu.memory_space<vmem>>) offsets(%dma_start3A_227 : memref<128xi32, #tpu.memory_space<vmem>>) semaphore(%arg16 : memref<!tpu.dma_semaphore, #tpu.memory_space<semaphore_mem>>)
      } else {
      }
    }
    %scan3A_126 = arith.constant 20 : i32
    %barrier3A_127 = arith.constant 0 : index
    tpu.barrier barrier_id(%barrier3A_127)
    %mul3A_128 = arith.constant 640 : i32
    %mul3A_129 = arith.muli %arg1, %mul3A_128 : i32
    %mul3A_130 = arith.constant 640 : i32
    %mul3A_131 = arith.muli %arg1, %mul3A_130 : i32
    "tpu.region"() ({
      %run_scoped3A = tpu.sem_alloc : memref<!tpu.dma_semaphore, #tpu.memory_space<semaphore_mem>>
      %dma_start3A_136 = arith.constant 0 : i32
      %dma_start3A_137 = tpu.memref_slice %arg7[%arg0, %mul3A_131, %dma_start3A_136] : memref<2x10240x128xf32, #tpu.memory_space<hbm>> -> memref<1x640x128xf32, #tpu.memory_space<hbm>>
      %dma_start3A_138 = tpu.memref_squeeze %dma_start3A_137 : memref<1x640x128xf32, #tpu.memory_space<hbm>> -> memref<640x128xf32, #tpu.memory_space<hbm>>
      %dma_start3A_139 = arith.constant 0 : i32
      %dma_start3A_140 = tpu.memref_slice %arg9[%mul3A_129, %dma_start3A_139] : memref<10240x128xf32, #tpu.memory_space<vmem_shared>> -> memref<640x128xf32, #tpu.memory_space<vmem_shared>>
      tpu.enqueue_dma source(%dma_start3A_140 : memref<640x128xf32, #tpu.memory_space<vmem_shared>>) target(%dma_start3A_138 : memref<640x128xf32, #tpu.memory_space<hbm>>) target_semaphore(%run_scoped3A : memref<!tpu.dma_semaphore, #tpu.memory_space<semaphore_mem>>)
      %dma_wait3A = arith.constant 0 : i32
      %dma_wait3A_141 = tpu.memref_slice %arg7[%arg0, %mul3A_131, %dma_wait3A] : memref<2x10240x128xf32, #tpu.memory_space<hbm>> -> memref<1x640x128xf32, #tpu.memory_space<hbm>>
      %dma_wait3A_142 = tpu.memref_squeeze %dma_wait3A_141 : memref<1x640x128xf32, #tpu.memory_space<hbm>> -> memref<640x128xf32, #tpu.memory_space<hbm>>
      %dma_wait3A_143 = arith.constant 0 : i32
      %dma_wait3A_144 = tpu.memref_slice %arg9[%mul3A_129, %dma_wait3A_143] : memref<10240x128xf32, #tpu.memory_space<vmem_shared>> -> memref<640x128xf32, #tpu.memory_space<vmem_shared>>
      tpu.wait_dma2 semaphore(%run_scoped3A : memref<!tpu.dma_semaphore, #tpu.memory_space<semaphore_mem>>) src(%dma_wait3A_144 : memref<640x128xf32, #tpu.memory_space<vmem_shared>>) dst(%dma_wait3A_142 : memref<640x128xf32, #tpu.memory_space<hbm>>)
      tpu.yield
    }) : () -> ()
    %mul3A_132 = arith.constant 640 : i32
    %mul3A_133 = arith.muli %arg1, %mul3A_132 : i32
    %mul3A_134 = arith.constant 640 : i32
    %mul3A_135 = arith.muli %arg1, %mul3A_134 : i32
    "tpu.region"() ({
      %run_scoped3A = tpu.sem_alloc : memref<!tpu.dma_semaphore, #tpu.memory_space<semaphore_mem>>
      %dma_start3A_136 = tpu.memref_slice %arg8[%arg0, %mul3A_135] : memref<2x10240xf32, #tpu.memory_space<hbm>> -> memref<1x640xf32, #tpu.memory_space<hbm>>
      %dma_start3A_137 = tpu.memref_squeeze %dma_start3A_136 : memref<1x640xf32, #tpu.memory_space<hbm>> -> memref<640xf32, #tpu.memory_space<hbm>>
      %dma_start3A_138 = tpu.memref_slice %arg10[%mul3A_133] : memref<10240xf32, #tpu.memory_space<vmem_shared>> -> memref<640xf32, #tpu.memory_space<vmem_shared>>
      tpu.enqueue_dma source(%dma_start3A_138 : memref<640xf32, #tpu.memory_space<vmem_shared>>) target(%dma_start3A_137 : memref<640xf32, #tpu.memory_space<hbm>>) target_semaphore(%run_scoped3A : memref<!tpu.dma_semaphore, #tpu.memory_space<semaphore_mem>>)
      %dma_wait3A = tpu.memref_slice %arg8[%arg0, %mul3A_135] : memref<2x10240xf32, #tpu.memory_space<hbm>> -> memref<1x640xf32, #tpu.memory_space<hbm>>
      %dma_wait3A_139 = tpu.memref_squeeze %dma_wait3A : memref<1x640xf32, #tpu.memory_space<hbm>> -> memref<640xf32, #tpu.memory_space<hbm>>
      %dma_wait3A_140 = tpu.memref_slice %arg10[%mul3A_133] : memref<10240xf32, #tpu.memory_space<vmem_shared>> -> memref<640xf32, #tpu.memory_space<vmem_shared>>
      tpu.wait_dma2 semaphore(%run_scoped3A : memref<!tpu.dma_semaphore, #tpu.memory_space<semaphore_mem>>) src(%dma_wait3A_140 : memref<640xf32, #tpu.memory_space<vmem_shared>>) dst(%dma_wait3A_139 : memref<640xf32, #tpu.memory_space<hbm>>)
      tpu.yield
    }) : () -> ()
    return
  }
}

module attributes {stable_mosaic.version = 14 : i64} {
  func.func @_mm_body(%arg0: memref<10000x128xf32, #tpu.memory_space<vmem>>, %arg1: memref<128x128xf32, #tpu.memory_space<vmem>>, %arg2: memref<10000x128xf32, #tpu.memory_space<vmem>>) attributes {dimension_semantics = [], scalar_prefetch = 0 : i64, scratch_operands = 0 : i64, tpu.core_type = #tpu.core_type<tc>} {
    %get3A = arith.constant 0 : index
    %get3A_0 = arith.constant 0 : index
    %get3A_1 = vector.load %arg0[%get3A, %get3A_0] : memref<10000x128xf32, #tpu.memory_space<vmem>>, vector<10000x128xf32>
    %get3A_2 = arith.constant 0 : index
    %get3A_3 = arith.constant 0 : index
    %get3A_4 = vector.load %arg1[%get3A_2, %get3A_3] : memref<128x128xf32, #tpu.memory_space<vmem>>, vector<128x128xf32>
    %dot_general3A = arith.constant dense<0.000000e+00> : vector<10000x128xf32>
    %dot_general3A_5 = tpu.matmul %get3A_1, %get3A_4, %dot_general3A {dimension_numbers = #tpu.dot_dimension_numbers<[1], [0], [0], [1], [0, 0, 1, 1], [], []>, transpose_lhs_hint = false} : vector<10000x128xf32>, vector<128x128xf32>, vector<10000x128xf32> -> vector<10000x128xf32>
    %swap3A = arith.constant 0 : index
    %swap3A_6 = arith.constant 0 : index
    %swap3A_7 = vector.load %arg2[%swap3A, %swap3A_6] : memref<10000x128xf32, #tpu.memory_space<vmem>>, vector<10000x128xf32>
    tpu.vector_store %arg2[%swap3A, %swap3A_6], %dot_general3A_5 {strides = array<i32>} : memref<10000x128xf32, #tpu.memory_space<vmem>>, vector<10000x128xf32>,
    return
  }
}

module attributes {stable_mosaic.version = 14 : i64} {
  func.func @_norm_mm_body(%arg0: memref<10000x128xf32, #tpu.memory_space<vmem>>, %arg1: memref<10240x1xf32, #tpu.memory_space<vmem>>, %arg2: memref<10240x1xf32, #tpu.memory_space<vmem>>, %arg3: memref<10240x128xf32, #tpu.memory_space<vmem>>, %arg4: memref<10240x1xf32, #tpu.memory_space<vmem>>, %arg5: memref<10240x1xf32, #tpu.memory_space<vmem>>) attributes {dimension_semantics = [], scalar_prefetch = 0 : i64, scratch_operands = 0 : i64, tpu.core_type = #tpu.core_type<tc>} {
    %get3A = arith.constant 0 : index
    %get3A_0 = arith.constant 0 : index
    %get3A_1 = vector.load %arg1[%get3A, %get3A_0] : memref<10240x1xf32, #tpu.memory_space<vmem>>, vector<10240x1xf32>
    %max3A = arith.constant 1.000000e+00 : f32
    %max3A_2 = vector.broadcast %max3A : f32 to vector<10240x1xf32>
    %max3A_3 = arith.maximumf %get3A_1, %max3A_2 : vector<10240x1xf32>
    %rsqrt3A = math.rsqrt %max3A_3 : vector<10240x1xf32>
    %get3A_4 = arith.constant 0 : index
    %get3A_5 = arith.constant 0 : index
    %get3A_6 = vector.load %arg2[%get3A_4, %get3A_5] : memref<10240x1xf32, #tpu.memory_space<vmem>>, vector<10240x1xf32>
    %max3A_7 = arith.constant 1.000000e+00 : f32
    %max3A_8 = vector.broadcast %max3A_7 : f32 to vector<10240x1xf32>
    %max3A_9 = arith.maximumf %get3A_6, %max3A_8 : vector<10240x1xf32>
    %rsqrt3A_10 = math.rsqrt %max3A_9 : vector<10240x1xf32>
    %swap3A = arith.constant 0 : index
    %swap3A_11 = arith.constant 0 : index
    %swap3A_12 = vector.load %arg4[%swap3A, %swap3A_11] : memref<10240x1xf32, #tpu.memory_space<vmem>>, vector<10240x1xf32>
    tpu.vector_store %arg4[%swap3A, %swap3A_11], %rsqrt3A {strides = array<i32>} : memref<10240x1xf32, #tpu.memory_space<vmem>>, vector<10240x1xf32>,
    %swap3A_13 = arith.constant 0 : index
    %swap3A_14 = arith.constant 0 : index
    %swap3A_15 = vector.load %arg5[%swap3A_13, %swap3A_14] : memref<10240x1xf32, #tpu.memory_space<vmem>>, vector<10240x1xf32>
    tpu.vector_store %arg5[%swap3A_13, %swap3A_14], %rsqrt3A_10 {strides = array<i32>} : memref<10240x1xf32, #tpu.memory_space<vmem>>, vector<10240x1xf32>,
    %get3A_16 = arith.constant 0 : index
    %get3A_17 = arith.constant 0 : index
    %get3A_18 = vector.load %arg0[%get3A_16, %get3A_17] : memref<10000x128xf32, #tpu.memory_space<vmem>>, vector<10000x128xf32>
    %slice3A = vector.extract_strided_slice %rsqrt3A {offsets = [0, 0], sizes = [10000, 1], strides = [1, 1]} : vector<10240x1xf32> to vector<10000x1xf32>
    %mul3A = vector.broadcast %slice3A : vector<10000x1xf32> to vector<10000x128xf32>
    %mul3A_19 = arith.mulf %get3A_18, %mul3A : vector<10000x128xf32>
    %swap3A_20 = arith.constant 0 : index
    %swap3A_21 = arith.constant 0 : index
    %swap3A_22 = vector.load %arg3[%swap3A_20, %swap3A_21] : memref<10240x128xf32, #tpu.memory_space<vmem>>, vector<10000x128xf32>
    tpu.vector_store %arg3[%swap3A_20, %swap3A_21], %mul3A_19 {strides = array<i32>} : memref<10240x128xf32, #tpu.memory_space<vmem>>, vector<10000x128xf32>,
    %broadcast_in_dim3A = arith.constant 0.000000e+00 : f32
    %broadcast_in_dim3A_23 = vector.broadcast %broadcast_in_dim3A : f32 to vector<240x128xf32>
    %swap3A_24 = arith.constant 10000 : index
    %swap3A_25 = arith.constant 0 : index
    %swap3A_26 = vector.load %arg3[%swap3A_24, %swap3A_25] : memref<10240x128xf32, #tpu.memory_space<vmem>>, vector<240x128xf32>
    tpu.vector_store %arg3[%swap3A_24, %swap3A_25], %broadcast_in_dim3A_23 {strides = array<i32>} : memref<10240x128xf32, #tpu.memory_space<vmem>>, vector<240x128xf32>,
    return
  }
}

module attributes {stable_mosaic.version = 14 : i64} {
  func.func @_finish_body(%arg0: i32, %arg1: memref<2x1024x128xf32, #tpu.memory_space<vmem>>, %arg2: memref<2x1024x1xf32, #tpu.memory_space<vmem>>, %arg3: memref<1024x1xf32, #tpu.memory_space<vmem>>, %arg4: memref<1024x1xf32, #tpu.memory_space<vmem>>, %arg5: memref<1x128xf32, #tpu.memory_space<vmem>>, %arg6: memref<128x32xf32, #tpu.memory_space<vmem>>, %arg7: memref<1x32xf32, #tpu.memory_space<vmem>>, %arg8: memref<1x32xf32, #tpu.memory_space<vmem>>, %arg9: memref<1x128xf32, #tpu.memory_space<vmem>>) attributes {dimension_semantics = [#tpu.dimension_semantics<arbitrary>], iteration_bounds = array<i64: 10>, scalar_prefetch = 0 : i64, scratch_operands = 1 : i64, tpu.core_type = #tpu.core_type<tc>, window_params = [{transform_indices = @transform_0, window_bounds = array<i64: 2, 1024, 128>}, {transform_indices = @transform_1, window_bounds = array<i64: 2, 1024, 1>}, {transform_indices = @transform_2, window_bounds = array<i64: 1024, 1>}, {transform_indices = @transform_3, window_bounds = array<i64: 1024, 1>}, {pipeline_mode = #tpu.pipeline_mode<synchronous>, transform_indices = @transform_4, window_bounds = array<i64: 1, 128>}, {pipeline_mode = #tpu.pipeline_mode<synchronous>, transform_indices = @transform_5, window_bounds = array<i64: 128, 32>}, {pipeline_mode = #tpu.pipeline_mode<synchronous>, transform_indices = @transform_6, window_bounds = array<i64: 1, 32>}, {pipeline_mode = #tpu.pipeline_mode<synchronous>, transform_indices = @transform_7, window_bounds = array<i64: 1, 32>}]} {
    %eq3A = arith.constant 0 : i32
    %eq3A_0 = arith.cmpi eq, %arg0, %eq3A : i32
    %convert_element_type3A = arith.extui %eq3A_0 : i1 to i32
    %cond3A = arith.constant 0 : i32
    %cond3A_1 = arith.cmpi ne, %convert_element_type3A, %cond3A : i32
    scf.if %cond3A_1 {
      %broadcast_in_dim3A_58 = arith.constant 0.000000e+00 : f32
      %broadcast_in_dim3A_59 = vector.broadcast %broadcast_in_dim3A_58 : f32 to vector<1x128xf32>
      %swap3A_60 = arith.constant 0 : index
      %swap3A_61 = arith.constant 0 : index
      %swap3A_62 = vector.load %arg9[%swap3A_60, %swap3A_61] : memref<1x128xf32, #tpu.memory_space<vmem>>, vector<1x128xf32>
      tpu.vector_store %arg9[%swap3A_60, %swap3A_61], %broadcast_in_dim3A_59 {strides = array<i32>} : memref<1x128xf32, #tpu.memory_space<vmem>>, vector<1x128xf32>,
    } else {
    }
    %get3A = arith.constant 0 : index
    %get3A_2 = arith.constant 0 : index
    %get3A_3 = arith.constant 0 : index
    %get3A_4 = vector.load %arg1[%get3A, %get3A_2, %get3A_3] : memref<2x1024x128xf32, #tpu.memory_space<vmem>>, vector<1x1024x128xf32>
    %get3A_5 = vector.shape_cast %get3A_4 : vector<1x1024x128xf32> to vector<1024x128xf32>
    %get3A_6 = arith.constant 1 : index
    %get3A_7 = arith.constant 0 : index
    %get3A_8 = arith.constant 0 : index
    %get3A_9 = vector.load %arg1[%get3A_6, %get3A_7, %get3A_8] : memref<2x1024x128xf32, #tpu.memory_space<vmem>>, vector<1x1024x128xf32>
    %get3A_10 = vector.shape_cast %get3A_9 : vector<1x1024x128xf32> to vector<1024x128xf32>
    %add3A = arith.addf %get3A_5, %get3A_10 : vector<1024x128xf32>
    %get3A_11 = arith.constant 0 : index
    %get3A_12 = arith.constant 0 : index
    %get3A_13 = vector.load %arg4[%get3A_11, %get3A_12] : memref<1024x1xf32, #tpu.memory_space<vmem>>, vector<1024x1xf32>
    %mul3A = vector.broadcast %get3A_13 : vector<1024x1xf32> to vector<1024x128xf32>
    %mul3A_14 = arith.mulf %add3A, %mul3A : vector<1024x128xf32>
    %get3A_15 = arith.constant 0 : index
    %get3A_16 = arith.constant 0 : index
    %get3A_17 = vector.load %arg5[%get3A_15, %get3A_16] : memref<1x128xf32, #tpu.memory_space<vmem>>, vector<1x128xf32>
    %add3A_18 = vector.broadcast %get3A_17 : vector<1x128xf32> to vector<1024x128xf32>
    %add3A_19 = arith.addf %mul3A_14, %add3A_18 : vector<1024x128xf32>
    %max3A = arith.constant 0.000000e+00 : f32
    %max3A_20 = vector.broadcast %max3A : f32 to vector<1024x128xf32>
    %max3A_21 = arith.maximumf %add3A_19, %max3A_20 : vector<1024x128xf32>
    %get3A_22 = arith.constant 0 : index
    %get3A_23 = arith.constant 0 : index
    %get3A_24 = vector.load %arg3[%get3A_22, %get3A_23] : memref<1024x1xf32, #tpu.memory_space<vmem>>, vector<1024x1xf32>
    %get3A_25 = arith.constant 0 : index
    %get3A_26 = arith.constant 0 : index
    %get3A_27 = arith.constant 0 : index
    %get3A_28 = vector.load %arg2[%get3A_25, %get3A_26, %get3A_27] : memref<2x1024x1xf32, #tpu.memory_space<vmem>>, vector<1x1024x1xf32>
    %get3A_29 = vector.shape_cast %get3A_28 : vector<1x1024x1xf32> to vector<1024x1xf32>
    %get3A_30 = arith.constant 1 : index
    %get3A_31 = arith.constant 0 : index
    %get3A_32 = arith.constant 0 : index
    %get3A_33 = vector.load %arg2[%get3A_30, %get3A_31, %get3A_32] : memref<2x1024x1xf32, #tpu.memory_space<vmem>>, vector<1x1024x1xf32>
    %get3A_34 = vector.shape_cast %get3A_33 : vector<1x1024x1xf32> to vector<1024x1xf32>
    %add3A_35 = arith.addf %get3A_29, %get3A_34 : vector<1024x1xf32>
    %mul3A_36 = arith.mulf %get3A_24, %add3A_35 : vector<1024x1xf32>
    %iota3A = tpu.iota {dimensions = array<i32: 0>} : vector<1024x1xi32>
    %mul3A_37 = arith.constant 1024 : i32
    %mul3A_38 = arith.muli %arg0, %mul3A_37 : i32
    %add3A_39 = vector.broadcast %mul3A_38 : i32 to vector<1024x1xi32>
    %add3A_40 = arith.addi %iota3A, %add3A_39 : vector<1024x1xi32>
    %lt3A = arith.constant 10000 : i32
    %lt3A_41 = vector.broadcast %lt3A : i32 to vector<1024x1xi32>
    %lt3A_42 = arith.cmpi slt, %add3A_40, %lt3A_41 : vector<1024x1xi32>
    %jit3A = arith.constant 0.000000e+00 : f32
    %broadcast_in_dim3A = vector.broadcast %jit3A : f32 to vector<1024x1xf32>
    %select_n3A = arith.select %lt3A_42, %mul3A_36, %broadcast_in_dim3A : vector<1024x1xi1>, vector<1024x1xf32>
    %get3A_43 = arith.constant 0 : index
    %get3A_44 = arith.constant 0 : index
    %get3A_45 = vector.load %arg9[%get3A_43, %get3A_44] : memref<1x128xf32, #tpu.memory_space<vmem>>, vector<1x128xf32>
    %mul3A_46 = vector.broadcast %select_n3A : vector<1024x1xf32> to vector<1024x128xf32>
    %mul3A_47 = arith.mulf %max3A_21, %mul3A_46 : vector<1024x128xf32>
    %reduce_sum3A = arith.constant dense<0.000000e+00> : vector<128xf32>
    %reduce_sum3A_48 = vector.multi_reduction <add>, %mul3A_47, %reduce_sum3A [0] : vector<1024x128xf32> to vector<128xf32>
    %broadcast_in_dim3A_49 = vector.shape_cast %reduce_sum3A_48 : vector<128xf32> to vector<1x128xf32>
    %add3A_50 = arith.addf %get3A_45, %broadcast_in_dim3A_49 : vector<1x128xf32>
    %swap3A = arith.constant 0 : index
    %swap3A_51 = arith.constant 0 : index
    %swap3A_52 = vector.load %arg9[%swap3A, %swap3A_51] : memref<1x128xf32, #tpu.memory_space<vmem>>, vector<1x128xf32>
    tpu.vector_store %arg9[%swap3A, %swap3A_51], %add3A_50 {strides = array<i32>} : memref<1x128xf32, #tpu.memory_space<vmem>>, vector<1x128xf32>,
    %eq3A_53 = arith.constant 9 : i32
    %eq3A_54 = arith.cmpi eq, %arg0, %eq3A_53 : i32
    %convert_element_type3A_55 = arith.extui %eq3A_54 : i1 to i32
    %cond3A_56 = arith.constant 0 : i32
    %cond3A_57 = arith.cmpi ne, %convert_element_type3A_55, %cond3A_56 : i32
    scf.if %cond3A_57 {
      %get3A_58 = arith.constant 0 : index
      %get3A_59 = arith.constant 0 : index
      %get3A_60 = vector.load %arg9[%get3A_58, %get3A_59] : memref<1x128xf32, #tpu.memory_space<vmem>>, vector<1x128xf32>
      %get3A_61 = arith.constant 0 : index
      %get3A_62 = arith.constant 0 : index
      %get3A_63 = vector.load %arg6[%get3A_61, %get3A_62] : memref<128x32xf32, #tpu.memory_space<vmem>>, vector<128x32xf32>
      %dot_general3A = arith.constant dense<0.000000e+00> : vector<1x32xf32>
      %dot_general3A_64 = tpu.matmul %get3A_60, %get3A_63, %dot_general3A {dimension_numbers = #tpu.dot_dimension_numbers<[1], [0], [0], [1], [0, 0, 1, 1], [], []>, transpose_lhs_hint = false} : vector<1x128xf32>, vector<128x32xf32>, vector<1x32xf32> -> vector<1x32xf32>
      %mul3A_65 = arith.constant 9.99999974E-5 : f32
      %mul3A_66 = vector.broadcast %mul3A_65 : f32 to vector<1x32xf32>
      %mul3A_67 = arith.mulf %dot_general3A_64, %mul3A_66 : vector<1x32xf32>
      %get3A_68 = arith.constant 0 : index
      %get3A_69 = arith.constant 0 : index
      %get3A_70 = vector.load %arg7[%get3A_68, %get3A_69] : memref<1x32xf32, #tpu.memory_space<vmem>>, vector<1x32xf32>
      %add3A_71 = arith.addf %mul3A_67, %get3A_70 : vector<1x32xf32>
      %swap3A_72 = arith.constant 0 : index
      %swap3A_73 = arith.constant 0 : index
      %swap3A_74 = vector.load %arg8[%swap3A_72, %swap3A_73] : memref<1x32xf32, #tpu.memory_space<vmem>>, vector<1x32xf32>
      tpu.vector_store %arg8[%swap3A_72, %swap3A_73], %add3A_71 {strides = array<i32>} : memref<1x32xf32, #tpu.memory_space<vmem>>, vector<1x32xf32>,
    } else {
    }
    return
  }
  func.func @transform_0(%arg0: i32) -> (i32, i32, i32) {
    %c0_i32 = arith.constant 0 : i32
    %c0_i32_0 = arith.constant 0 : i32
    %c0_i32_1 = arith.constant 0 : i32
    return %c0_i32, %arg0, %c0_i32_0 : i32, i32, i32
  }
  func.func @transform_1(%arg0: i32) -> (i32, i32, i32) {
    %c0_i32 = arith.constant 0 : i32
    %c0_i32_0 = arith.constant 0 : i32
    %c0_i32_1 = arith.constant 0 : i32
    return %c0_i32, %arg0, %c0_i32_0 : i32, i32, i32
  }
  func.func @transform_2(%arg0: i32) -> (i32, i32) {
    %c0_i32 = arith.constant 0 : i32
    %c0_i32_0 = arith.constant 0 : i32
    return %arg0, %c0_i32 : i32, i32
  }
  func.func @transform_3(%arg0: i32) -> (i32, i32) {
    %c0_i32 = arith.constant 0 : i32
    %c0_i32_0 = arith.constant 0 : i32
    return %arg0, %c0_i32 : i32, i32
  }
  func.func @transform_4(%arg0: i32) -> (i32, i32) {
    %c0_i32 = arith.constant 0 : i32
    %c0_i32_0 = arith.constant 0 : i32
    %c0_i32_1 = arith.constant 0 : i32
    return %c0_i32, %c0_i32_0 : i32, i32
  }
  func.func @transform_5(%arg0: i32) -> (i32, i32) {
    %c0_i32 = arith.constant 0 : i32
    %c0_i32_0 = arith.constant 0 : i32
    %c0_i32_1 = arith.constant 0 : i32
    return %c0_i32, %c0_i32_0 : i32, i32
  }
  func.func @transform_6(%arg0: i32) -> (i32, i32) {
    %c0_i32 = arith.constant 0 : i32
    %c0_i32_0 = arith.constant 0 : i32
    %c0_i32_1 = arith.constant 0 : i32
    return %c0_i32, %c0_i32_0 : i32, i32
  }
  func.func @transform_7(%arg0: i32) -> (i32, i32) {
    %c0_i32 = arith.constant 0 : i32
    %c0_i32_0 = arith.constant 0 : i32
    %c0_i32_1 = arith.constant 0 : i32
    return %c0_i32, %c0_i32_0 : i32, i32
  }
}

</mosaic_0001>

<sc_bundles>
// kernel: kernel.10.cloned.1.call-start
scs
__scs_entry_jumppad:
0x0: {  	(pc) =	sbr.rel $0x88, $3  }
0x1: {  	(tag) =	ssettag $0x0;
	lr =	simm.s32 $0x1  }
0x2: {  	[smem:$0x3F9B] =	sst lr;
	_ =	strace $0xD0000000  }
0x3: {  	_ = 	snop  }
0x4: {  	_ = 	snop  }
0x5: {  	_ = 	snop  }
0x6: {  	_ = 	snop  }
0x7: {  	_ = 	snop  }
__scs_overlays_trampoline_lowered:
0x8: {  	[smem:$0x3FAA] =	sst s0  }
0x9: {  	[smem:$0x3FAB] =	sst s1  }
0xa: {  	[smem:$0x3FAC] =	sst s2  }
0xb: {  	[smem:$0x3FAD] =	sst s3  }
0xc: {  	[smem:$0x3FAE] =	sst s4  }
0xd: {  	[smem:$0x3FAF] =	sst s5  }
0xe: {  	[smem:$0x3FB0] =	sst s6  }
0xf: {  	[smem:$0x3FB1] =	sst s7  }
0x10: {  	[smem:$0x3FB2] =	sst s8  }
0x11: {  	[smem:$0x3FB3] =	sst s9;
	s0 =	simm.s32 @!p0 $0x0  }
0x12: {  	s1 =	sld [smem:$0x3F99];
	s0 =	simm.s32 @p0 $0x1  }
0x13: {  	[smem:$0x3FB4] =	sst s0;
	s0 =	simm.s32 @!p1 $0x0  }
0x14: {  	s2 =	sld [smem:$0x3F98];
	s0 =	simm.s32 @p1 $0x1  }
0x15: {  	[smem:$0x3FB5] =	sst s0;
	s0 =	simm.s32 @!p2 $0x0  }
0x16: {  	s3 =	sld [smem:$0x3FDB];
	s0 =	simm.s32 @p2 $0x1  }
0x17: {  	s4 =	simm.s32 $0x1BF5;
	[smem:$0x3FB7] =	sst s0  }
0x18: {  	s0 =	sld [smem:$0x3F9A];
	_ =	swait.ge [sflag:s4], $0x0  }
0x19: {  	s7 =	sld [smem:$0x3F9B]  }
0x1a: {  	s8 =	sadd.s32 $0xFFFFE003, lr  }
0x1b: {  	s9 =	sadd.s32 $0xFFFFFEF7, lr;
	s5 =	simm.s32 $0xFFFFFFFF;
	p2 =	slt.u32 s8, $0xFFFFF086  }
0x1c: {  	p1 =	slt.u32 s9, $0xF7A;
	s5 =	simm.s32 @!p2 $0x0  }
0x1d: {  	s5 =	simm.s32 @p1 $0x1;
	p0 =	seq.s32 s7, s2  }
0x1e: {  	s7 =	smul.u32 @!p0 $0xF7A, s2;
	p2 =	seq.s32 @!p0 s5, $0x0  }
0x1f: {  	s9 =	smul.u32 $0xF7A, s1;
	s8 =	simm.s32 @!p0 $0x1BF5;
	p2 =	por !p2, p0  }
0x20: {  	[sflag:s8] =	ssyncset.s32 @!p0 $0xFFFFF086;
	s6 =	sadd.s32 @!p0 s3, s7;
	s7 =	simm.s32 @!p0 $0x108  }
0x21: {  	s3 =	sadd.s32 s3, s9;
	s6 =	sadd.s32 @!p0 $0x88, s6;
	s7 =	simm.s32 @p2 $0x1082  }
0x22: {  	[simem:s7], [sflag:s8] =	dma.local @!p0 [hbm:s6], $0xF7A  }
0x23: {  	s9 =	sor.u32 $0xD0000000, s2;
	s6 =	simm.s32 $0x108;
	_ =	swait.ge @!p0 [sflag:s8], $0x0  }
0x24: {  	s3 =	sadd.s32 $0x88, s3;
	s6 =	simm.s32 @!p1 $0x1082;
	[sflag:s4] =	ssyncset.s32 $0xFFFFF086  }
0x25: {  	[simem:s6], [sflag:s4] =	dma.local [hbm:s3], $0xF7A  }
0x26: {  	[smem:$0x3F9B] =	sst s1;
	(tag) =	ssettag s2;
	_ =	strace s9  }
0x27: {  	s1 =	sld [smem:$0x3FAB]  }
0x28: {  	s2 =	sld [smem:$0x3FAC]  }
0x29: {  	s4 =	sld [smem:$0x3FAE]  }
0x2a: {  	p0 =	seq.s32 s5, $0x0;
	s5 =	sld [smem:$0x3FAF]  }
0x2b: {  	s6 =	sld [smem:$0x3FB0]  }
0x2c: {  	s7 =	sld [smem:$0x3FB1]  }
0x2d: {  	s3 =	simm.s32 $0x108;
	s8 =	sld [smem:$0x3FB2]  }
0x2e: {  	s3 =	simm.s32 @!p0 $0x1082;
	s9 =	sld [smem:$0x3FB3]  }
0x2f: {  	lr =	sadd.s32 s0, s3;
	s0 =	sld [smem:$0x3FAA]  }
0x30: {  	s3 =	sld [smem:$0x3FAD]  }
0x31: {  	[smem:$0x3FB6] =	sst s10  }
0x32: {  	s10 =	sld [smem:$0x3FB4];
	_ =	sdelay $0x3  }
0x33: {  	p0 =	seq.s32 s10, $0x1;
	s10 =	sld [smem:$0x3FB6];
	_ =	sdelay $0x3  }
0x34: {  	[smem:$0x3FB6] =	sst s10  }
0x35: {  	s10 =	sld [smem:$0x3FB5];
	_ =	sdelay $0x3  }
0x36: {  	p1 =	seq.s32 s10, $0x1;
	s10 =	sld [smem:$0x3FB6];
	_ =	sdelay $0x3  }
0x37: {  	[smem:$0x3FB6] =	sst s10  }
0x38: {  	s10 =	sld [smem:$0x3FB7]  }
0x39: {  	_ = 	snop;
	(pc) =	sbr.ind lr, $3  }
0x3a: {  	_ = 	snop  }
0x3b: {  	_ = 	snop  }
0x3c: {  	p2 =	seq.s32 s10, $0x1;
	s10 =	sld [smem:$0x3FB6]  }
0x3d: {  	_ =	shalt  }
0x3e: {  	_ =	shalt  }
0x3f: {  	_ =	shalt  }
0x40: {  	_ =	shalt  }
0x41: {  	_ =	shalt  }
0x42: {  	_ =	shalt  }
0x43: {  	_ =	shalt  }
0x44: {  	_ =	shalt  }
0x45: {  	_ =	shalt  }
0x46: {  	_ =	shalt  }
0x47: {  	_ =	shalt  }
0x48: {  	_ =	shalt  }
0x49: {  	_ =	shalt  }
0x4a: {  	_ =	shalt  }
0x4b: {  	_ =	shalt  }
0x4c: {  	_ =	shalt  }
0x4d: {  	_ =	shalt  }
0x4e: {  	_ =	shalt  }
0x4f: {  	_ =	shalt  }
0x50: {  	_ =	shalt  }
0x51: {  	_ =	shalt  }
0x52: {  	_ =	shalt  }
0x53: {  	_ =	shalt  }
0x54: {  	_ =	shalt  }
0x55: {  	_ =	shalt  }
0x56: {  	_ =	shalt  }
0x57: {  	_ =	shalt  }
0x58: {  	_ =	shalt  }
0x59: {  	_ =	shalt  }
0x5a: {  	_ =	shalt  }
0x5b: {  	_ =	shalt  }
0x5c: {  	_ =	shalt  }
0x5d: {  	_ =	shalt  }
0x5e: {  	_ =	shalt  }
0x5f: {  	_ =	shalt  }
0x60: {  	_ =	shalt  }
0x61: {  	_ =	shalt  }
0x62: {  	_ =	shalt  }
0x63: {  	_ =	shalt  }
0x64: {  	_ =	shalt  }
0x65: {  	_ =	shalt  }
0x66: {  	_ =	shalt  }
0x67: {  	_ =	shalt  }
0x68: {  	_ =	shalt  }
0x69: {  	_ =	shalt  }
0x6a: {  	_ =	shalt  }
0x6b: {  	_ =	shalt  }
0x6c: {  	_ =	shalt  }
0x6d: {  	_ =	shalt  }
0x6e: {  	_ =	shalt  }
0x6f: {  	_ =	shalt  }
0x70: {  	_ =	shalt  }
0x71: {  	_ =	shalt  }
0x72: {  	_ =	shalt  }
0x73: {  	_ =	shalt  }
0x74: {  	_ =	shalt  }
0x75: {  	_ =	shalt  }
0x76: {  	_ =	shalt  }
0x77: {  	_ =	shalt  }
0x78: {  	_ =	shalt  }
0x79: {  	_ =	shalt  }
0x7a: {  	_ =	shalt  }
0x7b: {  	_ =	shalt  }
0x7c: {  	_ =	shalt  }
0x7d: {  	_ =	shalt  }
0x7e: {  	_ =	shalt  }
0x7f: {  	_ =	shalt  }
0x80: {  	_ =	shalt  }
0x81: {  	_ =	shalt  }
0x82: {  	_ =	shalt  }
0x83: {  	_ =	shalt  }
0x84: {  	_ =	shalt  }
0x85: {  	_ =	shalt  }
0x86: {  	_ =	shalt  }
0x87: {  	_ =	shalt  }
.Lfunc_end0:
.L_simem_size_0:
called_computation.1_lowered:
.L_overlay_start_0:
0x88: {  	s2 =	sld [smem:$0x3FD9]  }
0x89: {  	s3 =	sld [smem:$0x3FFE];
	_ =	sdelay $0x1  }
0x8a: {  	s1 =	srdreg.scid  }
0x8b: {  	s0 =	sand.u32 $0x1, s1  }
0x8c: {  	s16 =	sshll.u32 s0, $0xA;
	s2 =	sadd.s32 s3, s2  }
0x8d: {  	s2 =	sadd.s32 s2, s16  }
0x8e: {  	[smem:$0x3FC2] =	sst s2  }
0x8f: {  	_ = 	snop  }
0x90: {  	(tm) =	ssettm $0x1  }
0x91: {  	s17 =	sld [smem:$0x3FFB];
	_ =	sdelay $0x3  }
0x92: {  	_ =	strace s17  }
0x93: {  	s2 =	sld [smem:$0x3FFC];
	_ =	sdelay $0x3  }
0x94: {  	_ =	strace s2  }
0x95: {  	s2 =	sld [smem:$0x3FFD];
	_ =	sdelay $0x3  }
0x96: {  	_ =	strace s2  }
0x97: {  	_ =	strace $0x8FFFFFFF  }
0x98: {  	s18 =	sld [smem:$0x3FDB];
	_ =	sdelay $0x1  }
0x99: {  	s19 =	simm.s32 $_scs_section_size  }
0x9a: {  	s4 =	simm.s32 $_size__tile_overlayer_lowered;
	s5 =	simm.s32 $_tile_overlayer_lowered  }
0x9b: {  	s22 =	simm.s32 $0x1BFF;
	s21 =	sshll.u32 s5, $0x1;
	s2 =	sadd.s32 s19, s18  }
0x9c: {  	s6 =	simm.s32 $0x0;
	s20 =	sshll.u32 s4, $0x1;
	s4 =	sadd.s32 s21, s2  }
0x9d: {  	[timem:s6], [sflag:s22] =	dma.local [hbm:s4], s20  }
0x9e: {  	_ =	swait.ge [sflag:s22], s20  }
0x9f: {  	s3 =	ssub.s32 $0x0, s20;
	[sflag:s22] =	ssyncset.done $0x0  }
0xa0: {  	[sflag:s22] =	ssyncadd.s32 s3;
	_ =	sdelay $0x1  }
0xa1: {  	s23 =	simm.s32 $0x1B8B  }
0xa2: {  	_ =	swait.ge [sflag:s23], $0x1  }
0xa3: {  	[sflag:s23] =	ssyncset.done $0x0  }
0xa4: {  	s25 =	simm.s32 $0x1B8E;
	s24 =	sld [smem:$0x3FFE];
	[sflag:s23] =	ssyncadd.s32 $0xFFFFFFFF  }
0xa5: {  	s26 =	simm.s32 $execute0_lowered;
	[smem:$0x3FD2] =	sst s25  }
0xa6: {  	s4 =	sshll.u32 s26, $0x1;
	_ =	strace $0x80000049;
	[dreg:$0x1] =	wrdreg $0xFFFFFFFF  }
0xa7: {  	s28 =	simm.s32 $_size_execute0_lowered;
	s2 =	sadd.s32 s2, s4;
	[dreg:$0x0] =	wrdreg $0x0  }
0xa8: {  	s4 =	sshll.u32 s28, $0x1;
	[dreg:$0x2] =	wrdreg s2  }
0xa9: {  	[dreg:$0x3] =	wrdreg s4  }
0xaa: {  	[dreg:$0x4] =	wrdreg $0xC0  }
0xab: {  	_ =	task [dreg:s6], $0x5FFFF  }
0xac: {  	[dreg:$0x1] =	wrdreg $0xFFFFFFFF  }
0xad: {  	[dreg:$0x0] =	wrdreg $0x60  }
0xae: {  	[dreg:$0x2] =	wrdreg s24  }
0xaf: {  	[dreg:$0x3] =	wrdreg $0x0  }
0xb0: {  	[dreg:$0x4] =	wrdreg $0x140000  }
0xb1: {  	[dreg:$0x5] =	wrdreg $0x9  }
0xb2: {  	_ =	task.clear_ibuf [dreg:s6], $0x6FFFF;
	_ =	strace $0x90000049  }
0xb3: {  	s29 =	simm.s32 $0x9;
	_ =	strace $0x8000004B  }
0xb4: {  	_ =	swait.ge [sflag:s29], $0x1  }
0xb5: {  	[sflag:s29] =	ssyncadd.s32 $0xFFFFFFFF  }
0xb6: {  	_ =	strace $0x9000004B  }
0xb7: {  	_ =	sfence  }
0xb8: {  	s30 =	sld [smem:$0x0];
	_ =	sdelay $0x2  }
0xb9: {  	s31 =	sshll.u32 s1, $0xD;
	s1 =	sshrl.u32 s1, $0x2  }
0xba: {  	s3 =	sand.u32 $0x4000, s31;
	s1 =	sadd.s32 s1, s30  }
0xbb: {  	s0 =	sor.u32 s3, s0;
	s1 =	sshll.u32 s1, $0x11  }
0xbc: {  	s0 =	sor.u32 s1, s0  }
0xbd: {  	s0 =	sadd.s32 $0x8F2B, s0  }
0xbe: {  	[sflag:s0] =	ssyncadd.remote.s32 $0x1  }
0xbf: {  	_ =	sfence.sel $0xFFFF  }
0xc0: {  	[dreg:$0x0] =	wrdreg $0xFFFFFFFF;
	(pc) =	sbr.abs _section_cstart, $3  }
0xc1: {  	[dreg:$0x1] =	wrdreg $0xFFFFFFFF  }
0xc2: {  	_ =	task.clear_ibuf [dreg:s6], $0x2FFFF;
	_ =	strace $0x9FFFFFFF  }
0xc3: {  	(tm) =	ssettm $0x7FFFFFFF  }
tec
execute0_lowered:
.L_overlay_start_1:
0x0: {  	(tag) =	ssettag $0x1  }
0x1: {  	s0 =	rddreg [dreg:$0x0]  }
0x2: {  	s1 =	rddreg [dreg:$0x1]  }
0x3: {  	s3 =	rddreg [dreg:$0x2]  }
0x4: {  	s2 =	simm.s32 $0x0;
	s14 =	stileid.u32;
	s4 =	srdreg.scid  }
0x5: {  	s18 =	simm.s32 $0x3;
	s28 =	simm.s32 $0x15700;
	s29 =	simm.s32 $0x1EB00  }
0x6: {  	s30 =	simm.s32 $0x1;
	s31 =	simm.s32 $0x2;
	s19 =	smul.u32 $0x14000, s14  }
0x7: {  	[smem:$0x7FF] =	sst s2;
	s7 =	sadd.s32 $0x1A00, s0;
	s9 =	smul.u32 $0x280, s14  }
0x8: {  	s4 =	sand.u32 $0x1, s4;
	s5 =	sadd.s32 $0x16000, s0;
	s11 =	smul.u32 $0x500, s14  }
0x9: {  	s6 =	sadd.s32 $0x3E000, s0;
	s21 =	smul.u32 $0x50000, s14;
	s24 =	sshll.u32 s14, $0x6  }
0xa: {  	_ =	strace $0x8000004A;
	s10 =	smul.u32 $0x140000, s4;
	s20 =	sshll.u32 s4, $0x7  }
0xb: {  	s22 =	ssub.s32 $0x2, s4;
	s4 =	sshll.u32 s4, $0x4;
	s8 =	sshrl.u32 s19, $0x3  }
0xc: {  	s12 =	sshrl.u32 s9, $0x3;
	s13 =	sshrl.u32 s22, $0x1;
	s4 =	sor.u32 s14, s4  }
0xd: {  	s9 =	sadd.s32 s9, s3;
	s8 =	sadd.s32 s8, s0;
	s2 =	sadd.s32 s19, s10  }
0xe: {  	s12 =	sadd.s32 s12, s0;
	s10 =	sor.u32 s20, s11;
	s23 =	smul.u32 $0x2800, s4  }
0xf: {  	s11 =	sshrl.u32 s21, $0x2;
	s4 =	smul.u32 $0x500, s4;
	s19 =	sshrl.u32 s9, $0x3  }
0x10: {  	s20 =	simm.s32 $0x14280;
	s21 =	simm.s32 $0x15680;
	s9 =	simm.s32 $0x0  }
0x11: {  	s2 =	sshrl.u32 s2, $0x3;
	s10 =	sshrl.u32 s10, $0x3;
	s11 =	sadd.s32 s11, s1  }
0x12: {  	s8 =	sadd.s32 $0x3E600, s8;
	s12 =	sadd.s32 $0x15A00, s12;
	s2 =	sadd.s32 s2, s0  }
0x13: {  	s0 =	sadd.s32 s10, s0;
	s10 =	ssub.s32 s22, s13;
	[dreg:$0x4] =	wrdreg s8  }
0x14: {  	s8 =	sor.u32 $0x1C03, s24;
	s13 =	sshrl.u32 s23, $0x3;
	[dreg:$0x5] =	wrdreg s12  }
0x15: {  	s4 =	sadd.s32 s7, s4;
	s17 =	sshrl.u32 s11, $0x3;
	s22 =	simm.s32 $0x80  }
0x16: {  	s23 =	simm.s32 $0x16A80;
	s24 =	simm.s32 $0x1EA80;
	[dreg:$0x6] =	wrdreg s4  }
0x17: {  	s25 =	sadd.s32 s7, s13;
	s14 =	sadd.s32 $0x67000, s2;
	s15 =	sadd.s32 $0x66600, s0  }
0x18: {  	s16 =	smax.u32 s10, $0x1;
	s0 =	simm.s32 $0x16980;
	s2 =	simm.s32 $0x15580  }
0x19: {  	s4 =	simm.s32 $0x16A00;
	s7 =	sadd.s32 $0xA000, s25;
	s26 =	sadd.s32 $0x280, s25  }
0x1a: {  	s13 =	sadd.s32 $0xA280, s25;
	s25 =	simm.s32 $0x14300;
	[dreg:$0x7] =	wrdreg s7  }
0x1b: {  	[dreg:$0x8] =	wrdreg s26;
	s26 =	simm.s32 $0x1AA80;
	s7 =	simm.s32 $0x15600  }
.LBB2_1:
0x1c: {  	s10 =	rddreg [dreg:$0x4]  }
0x1d: {  	[spmem:s17], [sflag:s8] =	dma.local [hbm:s10], $0x2800  }
0x1e: {  	_ =	swait.ge [sflag:s18], $0x2800  }
0x1f: {  	[sflag:s18] =	ssyncset.done $0x0  }
0x20: {  	s11 =	rddreg [dreg:$0x5];
	[sflag:s18] =	ssyncadd.s32 $0xFFFFD800  }
0x21: {  	[spmem:s19], [sflag:s8] =	dma.local [hbm:s11], $0x50  }
0x22: {  	_ =	swait.ge [sflag:s18], $0x50  }
0x23: {  	[sflag:s18] =	ssyncset.done $0x0  }
0x24: {  	s10 =	simm.s32 $0x0;
	s11 =	rddreg [dreg:$0x6];
	[sflag:s18] =	ssyncadd.s32 $0xFFFFFFB0  }
0x25: {  	[tilespmem:s20], [sflag:$0x3] =	stream.linear.gather [hbm4b:s11+s10], $0x1400, $0x38;
	[tilespmem:$0x1EB80] =	vst v63  }
0x26: {  	_ =	swait.ge [sflag:s18], $0x1400  }
0x27: {  	[sflag:s18] =	ssyncset.done $0x0  }
0x28: {  	s12 =	rddreg [dreg:$0x7];
	[sflag:s18] =	ssyncadd.s32 $0xFFFFEC00  }
0x29: {  	[tilespmem:s21], [sflag:$0x3] =	stream.linear.gather [hbm4b:s12+s10], $0x1400, $0x38;
	[tilespmem:$0x1EB80] =	vst v63  }
0x2a: {  	_ =	swait.ge [sflag:s18], $0x1400  }
0x2b: {  	[sflag:s18] =	ssyncset.done $0x0  }
0x2c: {  	[sflag:s18] =	ssyncadd.s32 $0xFFFFEC00  }
0x2d: {  	[bflag:$0x0] =	sbarrier.arrive $0xFFFF  }
0x2e: {  	[tilespmem:s23], [sflag:$0x1] =	stream.indirect.gather [hbm4b:s5+s22], $0x80, s20, s22, $0xb8;
	[tilespmem:$0x1EB80] =	vst v63  }
0x2f: {  	_ = 	snop  }
0x30: {  	[tilespmem:s24], [sflag:$0x2] =	stream.indirect.gather [hbm4b:s6+s22], $0x1, s21, s22, $0xb8;
	[tilespmem:$0x1EB80] =	vst v63  }
0x31: {  	_ = 	snop  }
0x32: {  	[tilespmem:s26], [sflag:$0x1] =	stream.indirect.gather [hbm4b:s5+s22], $0x80, s25, s22, $0xb8;
	[tilespmem:$0x1EB80] =	vst v63  }
0x33: {  	_ = 	snop  }
0x34: {  	[tilespmem:s29], [sflag:$0x2] =	stream.indirect.gather [hbm4b:s6+s22], $0x1, s28, s22, $0xb8;
	[tilespmem:$0x1EB80] =	vst v63  }
0x35: {  	_ =	swait.ge [sflag:s30], $0x4000  }
0x36: {  	[sflag:s30] =	ssyncset.done $0x0  }
0x37: {  	s12 =	simm.s32 $0x15680;
	[sflag:s30] =	ssyncadd.s32 $0xFFFFC000  }
0x38: {  	[spmem:s1] =	stream.indirect.scatter.add.f32 [tilespmem:s23], [sflag:$0x3], $0x80, s12, s22, $0xb8;
	[tilespmem:$0x1EB80] =	vst v63  }
0x39: {  	_ =	swait.ge [sflag:s18], $0x4000  }
0x3a: {  	[sflag:s18] =	ssyncset.done $0x0  }
0x3b: {  	[sflag:s18] =	ssyncadd.s32 $0xFFFFC000  }
0x3c: {  	_ =	swait.ge [sflag:s31], $0x80  }
0x3d: {  	[sflag:s31] =	ssyncset.done $0x0  }
0x3e: {  	s11 =	simm.s32 $0x14280;
	[sflag:s31] =	ssyncadd.s32 $0xFFFFFF80  }
0x3f: {  	[spmem:s3] =	stream.indirect.scatter.add.f32 [tilespmem:s24], [sflag:$0x3], $0x1, s11, s22, $0xb8;
	[tilespmem:$0x1EB80] =	vst v63  }
0x40: {  	_ =	swait.ge [sflag:s18], $0x80  }
0x41: {  	[sflag:s18] =	ssyncset.done $0x0  }
0x42: {  	s12 =	simm.s32 $0x14380;
	[sflag:s18] =	ssyncadd.s32 $0xFFFFFF80  }
0x43: {  	[tilespmem:s23], [sflag:$0x1] =	stream.indirect.gather [hbm4b:s5+s22], $0x80, s12, s22, $0xb8;
	[tilespmem:$0x1EB80] =	vst v63  }
0x44: {  	s11 =	simm.s32 $0x15780  }
0x45: {  	[tilespmem:s24], [sflag:$0x2] =	stream.indirect.gather [hbm4b:s6+s22], $0x1, s11, s22, $0xb8;
	[tilespmem:$0x1EB80] =	vst v63  }
0x46: {  	_ =	swait.ge [sflag:s30], $0x4000  }
0x47: {  	[sflag:s30] =	ssyncset.done $0x0  }
0x48: {  	s12 =	simm.s32 $0x15700;
	[sflag:s30] =	ssyncadd.s32 $0xFFFFC000  }
0x49: {  	[spmem:s1] =	stream.indirect.scatter.add.f32 [tilespmem:s26], [sflag:$0x3], $0x80, s12, s22, $0xb8;
	[tilespmem:$0x1EB80] =	vst v63  }
0x4a: {  	_ =	swait.ge [sflag:s18], $0x4000  }
0x4b: {  	[sflag:s18] =	ssyncset.done $0x0  }
0x4c: {  	[sflag:s18] =	ssyncadd.s32 $0xFFFFC000  }
0x4d: {  	_ =	swait.ge [sflag:s31], $0x80  }
0x4e: {  	[sflag:s31] =	ssyncset.done $0x0  }
0x4f: {  	s11 =	simm.s32 $0x14300;
	[sflag:s31] =	ssyncadd.s32 $0xFFFFFF80  }
0x50: {  	[spmem:s3] =	stream.indirect.scatter.add.f32 [tilespmem:s29], [sflag:$0x3], $0x1, s11, s22, $0xb8;
	[tilespmem:$0x1EB80] =	vst v63  }
0x51: {  	_ =	swait.ge [sflag:s18], $0x80  }
0x52: {  	s10 =	simm.s32 $0x400;
	[sflag:s18] =	ssyncset.done $0x0  }
0x53: {  	s12 =	simm.s32 $0x14400;
	s11 =	simm.s32 $0x15800;
	[sflag:s18] =	ssyncadd.s32 $0xFFFFFF80  }
0x54: {  	[tilespmem:s26], [sflag:$0x1] =	stream.indirect.gather [hbm4b:s5+s22], $0x80, s12, s22, $0xb8;
	[tilespmem:$0x1EB80] =	vst v63  }
.LBB2_2:
0x55: {  	[tilespmem:s29], [sflag:$0x2] =	stream.indirect.gather [hbm4b:s6+s22], $0x1, s11, s22, $0xb8;
	[tilespmem:$0x1EB80] =	vst v63  }
0x56: {  	s11 =	smov.u32 s10  }
0x57: {  	p0 =	sne.s32 s10, $0x4800;
	s10 =	sadd.s32 $0x400, s10;
	_ =	swait.ge [sflag:s30], $0x4000  }
0x58: {  	s11 =	sshra.s32 s11, $0x2;
	[sflag:s30] =	ssyncset.done $0x0  }
0x59: {  	s12 =	sadd.s32 $0x15680, s11;
	[sflag:s30] =	ssyncadd.s32 $0xFFFFC000  }
0x5a: {  	[spmem:s1] =	stream.indirect.scatter.add.f32 [tilespmem:s23], [sflag:$0x3], $0x80, s12, s22, $0xb8;
	[tilespmem:$0x1EB80] =	vst v63  }
0x5b: {  	_ =	swait.ge [sflag:s18], $0x4000  }
0x5c: {  	[sflag:s18] =	ssyncset.done $0x0  }
0x5d: {  	[sflag:s18] =	ssyncadd.s32 $0xFFFFC000  }
0x5e: {  	_ =	swait.ge [sflag:s31], $0x80  }
0x5f: {  	[sflag:s31] =	ssyncset.done $0x0  }
0x60: {  	s12 =	sadd.s32 $0x14280, s11;
	[sflag:s31] =	ssyncadd.s32 $0xFFFFFF80  }
0x61: {  	[spmem:s3] =	stream.indirect.scatter.add.f32 [tilespmem:s24], [sflag:$0x3], $0x1, s12, s22, $0xb8;
	[tilespmem:$0x1EB80] =	vst v63  }
0x62: {  	_ =	swait.ge [sflag:s18], $0x80  }
0x63: {  	[sflag:s18] =	ssyncset.done $0x0  }
0x64: {  	s12 =	sadd.s32 $0x14380, s11;
	[sflag:s18] =	ssyncadd.s32 $0xFFFFFF80  }
0x65: {  	[tilespmem:s23], [sflag:$0x1] =	stream.indirect.gather [hbm4b:s5+s22], $0x80, s12, s22, $0xb8;
	[tilespmem:$0x1EB80] =	vst v63  }
0x66: {  	s12 =	sadd.s32 $0x15780, s11  }
0x67: {  	[tilespmem:s24], [sflag:$0x2] =	stream.indirect.gather [hbm4b:s6+s22], $0x1, s12, s22, $0xb8;
	[tilespmem:$0x1EB80] =	vst v63  }
0x68: {  	_ =	swait.ge [sflag:s30], $0x4000  }
0x69: {  	[sflag:s30] =	ssyncset.done $0x0  }
0x6a: {  	s12 =	sadd.s32 $0x15700, s11;
	[sflag:s30] =	ssyncadd.s32 $0xFFFFC000  }
0x6b: {  	[spmem:s1] =	stream.indirect.scatter.add.f32 [tilespmem:s26], [sflag:$0x3], $0x80, s12, s22, $0xb8;
	[tilespmem:$0x1EB80] =	vst v63  }
0x6c: {  	_ =	swait.ge [sflag:s18], $0x4000  }
0x6d: {  	[sflag:s18] =	ssyncset.done $0x0  }
0x6e: {  	[sflag:s18] =	ssyncadd.s32 $0xFFFFC000  }
0x6f: {  	_ =	swait.ge [sflag:s31], $0x80  }
0x70: {  	[sflag:s31] =	ssyncset.done $0x0  }
0x71: {  	s12 =	sadd.s32 $0x14300, s11;
	[sflag:s31] =	ssyncadd.s32 $0xFFFFFF80  }
0x72: {  	[spmem:s3] =	stream.indirect.scatter.add.f32 [tilespmem:s29], [sflag:$0x3], $0x1, s12, s22, $0xb8;
	[tilespmem:$0x1EB80] =	vst v63  }
.Ltmp0:
0x73: {  	_ =	swait.ge [sflag:s18], $0x80;
	(pc) =	sbr.rel @p0 .LBB2_2-.Ltmp0, $4  }
0x74: {  	[sflag:s18] =	ssyncset.done $0x0  }
0x75: {  	s12 =	sadd.s32 $0x14400, s11;
	[sflag:s18] =	ssyncadd.s32 $0xFFFFFF80  }
0x76: {  	[tilespmem:s26], [sflag:$0x1] =	stream.indirect.gather [hbm4b:s5+s22], $0x80, s12, s22, $0xb8;
	[tilespmem:$0x1EB80] =	vst v63  }
0x77: {  	s11 =	sadd.s32 $0x15800, s11  }
0x78: {  	[tilespmem:s29], [sflag:$0x2] =	stream.indirect.gather [hbm4b:s6+s22], $0x1, s11, s22, $0xb8;
	[tilespmem:$0x1EB80] =	vst v63  }
0x79: {  	_ =	swait.ge [sflag:s30], $0x4000  }
0x7a: {  	[sflag:s30] =	ssyncset.done $0x0  }
0x7b: {  	[sflag:s30] =	ssyncadd.s32 $0xFFFFC000  }
0x7c: {  	[spmem:s1] =	stream.indirect.scatter.add.f32 [tilespmem:s23], [sflag:$0x3], $0x80, s0, s22, $0xb8;
	[tilespmem:$0x1EB80] =	vst v63  }
0x7d: {  	_ =	swait.ge [sflag:s18], $0x4000  }
0x7e: {  	[sflag:s18] =	ssyncset.done $0x0  }
0x7f: {  	[sflag:s18] =	ssyncadd.s32 $0xFFFFC000  }
0x80: {  	_ =	swait.ge [sflag:s31], $0x80  }
0x81: {  	[sflag:s31] =	ssyncset.done $0x0  }
0x82: {  	[sflag:s31] =	ssyncadd.s32 $0xFFFFFF80  }
0x83: {  	[spmem:s3] =	stream.indirect.scatter.add.f32 [tilespmem:s24], [sflag:$0x3], $0x1, s2, s22, $0xb8;
	[tilespmem:$0x1EB80] =	vst v63  }
0x84: {  	_ =	swait.ge [sflag:s18], $0x80  }
0x85: {  	[sflag:s18] =	ssyncset.done $0x0  }
0x86: {  	[sflag:s18] =	ssyncadd.s32 $0xFFFFFF80  }
0x87: {  	_ =	swait.ge [sflag:s30], $0x4000  }
0x88: {  	[sflag:s30] =	ssyncset.done $0x0  }
0x89: {  	[sflag:s30] =	ssyncadd.s32 $0xFFFFC000  }
0x8a: {  	[spmem:s1] =	stream.indirect.scatter.add.f32 [tilespmem:s26], [sflag:$0x3], $0x80, s4, s22, $0xb8;
	[tilespmem:$0x1EB80] =	vst v63  }
0x8b: {  	_ =	swait.ge [sflag:s18], $0x4000  }
0x8c: {  	[sflag:s18] =	ssyncset.done $0x0  }
0x8d: {  	[sflag:s18] =	ssyncadd.s32 $0xFFFFC000  }
0x8e: {  	_ =	swait.ge [sflag:s31], $0x80  }
0x8f: {  	[sflag:s31] =	ssyncset.done $0x0  }
0x90: {  	[sflag:s31] =	ssyncadd.s32 $0xFFFFFF80  }
0x91: {  	[spmem:s3] =	stream.indirect.scatter.add.f32 [tilespmem:s29], [sflag:$0x3], $0x1, s7, s22, $0xb8;
	[tilespmem:$0x1EB80] =	vst v63  }
0x92: {  	_ =	swait.ge [sflag:s18], $0x80  }
0x93: {  	[sflag:s18] =	ssyncset.done $0x0  }
0x94: {  	s10 =	simm.s32 $0x0;
	s12 =	rddreg [dreg:$0x8];
	[sflag:s18] =	ssyncadd.s32 $0xFFFFFF80  }
0x95: {  	[tilespmem:s20], [sflag:$0x3] =	stream.linear.gather [hbm4b:s12+s10], $0x1400, $0x38;
	[tilespmem:$0x1EB80] =	vst v63  }
0x96: {  	_ =	swait.ge [sflag:s18], $0x1400  }
0x97: {  	[sflag:s18] =	ssyncset.done $0x0  }
0x98: {  	[sflag:s18] =	ssyncadd.s32 $0xFFFFEC00  }
0x99: {  	[tilespmem:s21], [sflag:$0x3] =	stream.linear.gather [hbm4b:s13+s10], $0x1400, $0x38;
	[tilespmem:$0x1EB80] =	vst v63  }
0x9a: {  	_ =	swait.ge [sflag:s18], $0x1400  }
0x9b: {  	[sflag:s18] =	ssyncset.done $0x0  }
0x9c: {  	[sflag:s18] =	ssyncadd.s32 $0xFFFFEC00  }
0x9d: {  	[tilespmem:s23], [sflag:$0x1] =	stream.indirect.gather [hbm4b:s5+s22], $0x80, s20, s22, $0xb8;
	[tilespmem:$0x1EB80] =	vst v63  }
0x9e: {  	_ = 	snop  }
0x9f: {  	[tilespmem:s24], [sflag:$0x2] =	stream.indirect.gather [hbm4b:s6+s22], $0x1, s21, s22, $0xb8;
	[tilespmem:$0x1EB80] =	vst v63  }
0xa0: {  	_ = 	snop  }
0xa1: {  	[tilespmem:s26], [sflag:$0x1] =	stream.indirect.gather [hbm4b:s5+s22], $0x80, s25, s22, $0xb8;
	[tilespmem:$0x1EB80] =	vst v63  }
0xa2: {  	_ = 	snop  }
0xa3: {  	[tilespmem:s29], [sflag:$0x2] =	stream.indirect.gather [hbm4b:s6+s22], $0x1, s28, s22, $0xb8;
	[tilespmem:$0x1EB80] =	vst v63  }
0xa4: {  	_ =	swait.ge [sflag:s30], $0x4000  }
0xa5: {  	[sflag:s30] =	ssyncset.done $0x0  }
0xa6: {  	s12 =	simm.s32 $0x15680;
	[sflag:s30] =	ssyncadd.s32 $0xFFFFC000  }
0xa7: {  	[spmem:s1] =	stream.indirect.scatter.add.f32 [tilespmem:s23], [sflag:$0x3], $0x80, s12, s22, $0xb8;
	[tilespmem:$0x1EB80] =	vst v63  }
0xa8: {  	_ =	swait.ge [sflag:s18], $0x4000  }
0xa9: {  	[sflag:s18] =	ssyncset.done $0x0  }
0xaa: {  	[sflag:s18] =	ssyncadd.s32 $0xFFFFC000  }
0xab: {  	_ =	swait.ge [sflag:s31], $0x80  }
0xac: {  	[sflag:s31] =	ssyncset.done $0x0  }
0xad: {  	s11 =	simm.s32 $0x14280;
	[sflag:s31] =	ssyncadd.s32 $0xFFFFFF80  }
0xae: {  	[spmem:s3] =	stream.indirect.scatter.add.f32 [tilespmem:s24], [sflag:$0x3], $0x1, s11, s22, $0xb8;
	[tilespmem:$0x1EB80] =	vst v63  }
0xaf: {  	_ =	swait.ge [sflag:s18], $0x80  }
0xb0: {  	[sflag:s18] =	ssyncset.done $0x0  }
0xb1: {  	s12 =	simm.s32 $0x14380;
	[sflag:s18] =	ssyncadd.s32 $0xFFFFFF80  }
0xb2: {  	[tilespmem:s23], [sflag:$0x1] =	stream.indirect.gather [hbm4b:s5+s22], $0x80, s12, s22, $0xb8;
	[tilespmem:$0x1EB80] =	vst v63  }
0xb3: {  	s11 =	simm.s32 $0x15780  }
0xb4: {  	[tilespmem:s24], [sflag:$0x2] =	stream.indirect.gather [hbm4b:s6+s22], $0x1, s11, s22, $0xb8;
	[tilespmem:$0x1EB80] =	vst v63  }
0xb5: {  	_ =	swait.ge [sflag:s30], $0x4000  }
0xb6: {  	[sflag:s30] =	ssyncset.done $0x0  }
0xb7: {  	s12 =	simm.s32 $0x15700;
	[sflag:s30] =	ssyncadd.s32 $0xFFFFC000  }
0xb8: {  	[spmem:s1] =	stream.indirect.scatter.add.f32 [tilespmem:s26], [sflag:$0x3], $0x80, s12, s22, $0xb8;
	[tilespmem:$0x1EB80] =	vst v63  }
0xb9: {  	_ =	swait.ge [sflag:s18], $0x4000  }
0xba: {  	[sflag:s18] =	ssyncset.done $0x0  }
0xbb: {  	[sflag:s18] =	ssyncadd.s32 $0xFFFFC000  }
0xbc: {  	_ =	swait.ge [sflag:s31], $0x80  }
0xbd: {  	[sflag:s31] =	ssyncset.done $0x0  }
0xbe: {  	s11 =	simm.s32 $0x14300;
	[sflag:s31] =	ssyncadd.s32 $0xFFFFFF80  }
0xbf: {  	[spmem:s3] =	stream.indirect.scatter.add.f32 [tilespmem:s29], [sflag:$0x3], $0x1, s11, s22, $0xb8;
	[tilespmem:$0x1EB80] =	vst v63  }
0xc0: {  	_ =	swait.ge [sflag:s18], $0x80  }
0xc1: {  	s10 =	simm.s32 $0x400;
	[sflag:s18] =	ssyncset.done $0x0  }
0xc2: {  	s12 =	simm.s32 $0x14400;
	s11 =	simm.s32 $0x15800;
	[sflag:s18] =	ssyncadd.s32 $0xFFFFFF80  }
0xc3: {  	[tilespmem:s26], [sflag:$0x1] =	stream.indirect.gather [hbm4b:s5+s22], $0x80, s12, s22, $0xb8;
	[tilespmem:$0x1EB80] =	vst v63  }
.LBB2_4:
0xc4: {  	[tilespmem:s29], [sflag:$0x2] =	stream.indirect.gather [hbm4b:s6+s22], $0x1, s11, s22, $0xb8;
	[tilespmem:$0x1EB80] =	vst v63  }
0xc5: {  	s11 =	smov.u32 s10  }
0xc6: {  	p0 =	sne.s32 s10, $0x4800;
	s10 =	sadd.s32 $0x400, s10;
	_ =	swait.ge [sflag:s30], $0x4000  }
0xc7: {  	s11 =	sshra.s32 s11, $0x2;
	[sflag:s30] =	ssyncset.done $0x0  }
0xc8: {  	s12 =	sadd.s32 $0x15680, s11;
	[sflag:s30] =	ssyncadd.s32 $0xFFFFC000  }
0xc9: {  	[spmem:s1] =	stream.indirect.scatter.add.f32 [tilespmem:s23], [sflag:$0x3], $0x80, s12, s22, $0xb8;
	[tilespmem:$0x1EB80] =	vst v63  }
0xca: {  	_ =	swait.ge [sflag:s18], $0x4000  }
0xcb: {  	[sflag:s18] =	ssyncset.done $0x0  }
0xcc: {  	[sflag:s18] =	ssyncadd.s32 $0xFFFFC000  }
0xcd: {  	_ =	swait.ge [sflag:s31], $0x80  }
0xce: {  	[sflag:s31] =	ssyncset.done $0x0  }
0xcf: {  	s12 =	sadd.s32 $0x14280, s11;
	[sflag:s31] =	ssyncadd.s32 $0xFFFFFF80  }
0xd0: {  	[spmem:s3] =	stream.indirect.scatter.add.f32 [tilespmem:s24], [sflag:$0x3], $0x1, s12, s22, $0xb8;
	[tilespmem:$0x1EB80] =	vst v63  }
0xd1: {  	_ =	swait.ge [sflag:s18], $0x80  }
0xd2: {  	[sflag:s18] =	ssyncset.done $0x0  }
0xd3: {  	s12 =	sadd.s32 $0x14380, s11;
	[sflag:s18] =	ssyncadd.s32 $0xFFFFFF80  }
0xd4: {  	[tilespmem:s23], [sflag:$0x1] =	stream.indirect.gather [hbm4b:s5+s22], $0x80, s12, s22, $0xb8;
	[tilespmem:$0x1EB80] =	vst v63  }
0xd5: {  	s12 =	sadd.s32 $0x15780, s11  }
0xd6: {  	[tilespmem:s24], [sflag:$0x2] =	stream.indirect.gather [hbm4b:s6+s22], $0x1, s12, s22, $0xb8;
	[tilespmem:$0x1EB80] =	vst v63  }
0xd7: {  	_ =	swait.ge [sflag:s30], $0x4000  }
0xd8: {  	[sflag:s30] =	ssyncset.done $0x0  }
0xd9: {  	s12 =	sadd.s32 $0x15700, s11;
	[sflag:s30] =	ssyncadd.s32 $0xFFFFC000  }
0xda: {  	[spmem:s1] =	stream.indirect.scatter.add.f32 [tilespmem:s26], [sflag:$0x3], $0x80, s12, s22, $0xb8;
	[tilespmem:$0x1EB80] =	vst v63  }
0xdb: {  	_ =	swait.ge [sflag:s18], $0x4000  }
0xdc: {  	[sflag:s18] =	ssyncset.done $0x0  }
0xdd: {  	[sflag:s18] =	ssyncadd.s32 $0xFFFFC000  }
0xde: {  	_ =	swait.ge [sflag:s31], $0x80  }
0xdf: {  	[sflag:s31] =	ssyncset.done $0x0  }
0xe0: {  	s12 =	sadd.s32 $0x14300, s11;
	[sflag:s31] =	ssyncadd.s32 $0xFFFFFF80  }
0xe1: {  	[spmem:s3] =	stream.indirect.scatter.add.f32 [tilespmem:s29], [sflag:$0x3], $0x1, s12, s22, $0xb8;
	[tilespmem:$0x1EB80] =	vst v63  }
.Ltmp1:
0xe2: {  	_ =	swait.ge [sflag:s18], $0x80;
	(pc) =	sbr.rel @p0 .LBB2_4-.Ltmp1, $4  }
0xe3: {  	[sflag:s18] =	ssyncset.done $0x0  }
0xe4: {  	s12 =	sadd.s32 $0x14400, s11;
	[sflag:s18] =	ssyncadd.s32 $0xFFFFFF80  }
0xe5: {  	[tilespmem:s26], [sflag:$0x1] =	stream.indirect.gather [hbm4b:s5+s22], $0x80, s12, s22, $0xb8;
	[tilespmem:$0x1EB80] =	vst v63  }
0xe6: {  	s11 =	sadd.s32 $0x15800, s11  }
0xe7: {  	[tilespmem:s29], [sflag:$0x2] =	stream.indirect.gather [hbm4b:s6+s22], $0x1, s11, s22, $0xb8;
	[tilespmem:$0x1EB80] =	vst v63  }
0xe8: {  	_ =	swait.ge [sflag:s30], $0x4000  }
0xe9: {  	[sflag:s30] =	ssyncset.done $0x0  }
0xea: {  	[sflag:s30] =	ssyncadd.s32 $0xFFFFC000  }
0xeb: {  	[spmem:s1] =	stream.indirect.scatter.add.f32 [tilespmem:s23], [sflag:$0x3], $0x80, s0, s22, $0xb8;
	[tilespmem:$0x1EB80] =	vst v63  }
0xec: {  	_ =	swait.ge [sflag:s18], $0x4000  }
0xed: {  	[sflag:s18] =	ssyncset.done $0x0  }
0xee: {  	[sflag:s18] =	ssyncadd.s32 $0xFFFFC000  }
0xef: {  	_ =	swait.ge [sflag:s31], $0x80  }
0xf0: {  	[sflag:s31] =	ssyncset.done $0x0  }
0xf1: {  	[sflag:s31] =	ssyncadd.s32 $0xFFFFFF80  }
0xf2: {  	[spmem:s3] =	stream.indirect.scatter.add.f32 [tilespmem:s24], [sflag:$0x3], $0x1, s2, s22, $0xb8;
	[tilespmem:$0x1EB80] =	vst v63  }
0xf3: {  	_ =	swait.ge [sflag:s18], $0x80  }
0xf4: {  	[sflag:s18] =	ssyncset.done $0x0  }
0xf5: {  	[sflag:s18] =	ssyncadd.s32 $0xFFFFFF80  }
0xf6: {  	_ =	swait.ge [sflag:s30], $0x4000  }
0xf7: {  	[sflag:s30] =	ssyncset.done $0x0  }
0xf8: {  	[sflag:s30] =	ssyncadd.s32 $0xFFFFC000  }
0xf9: {  	[spmem:s1] =	stream.indirect.scatter.add.f32 [tilespmem:s26], [sflag:$0x3], $0x80, s4, s22, $0xb8;
	[tilespmem:$0x1EB80] =	vst v63  }
0xfa: {  	_ =	swait.ge [sflag:s18], $0x4000  }
0xfb: {  	[sflag:s18] =	ssyncset.done $0x0  }
0xfc: {  	[sflag:s18] =	ssyncadd.s32 $0xFFFFC000  }
0xfd: {  	_ =	swait.ge [sflag:s31], $0x80  }
0xfe: {  	[sflag:s31] =	ssyncset.done $0x0  }
0xff: {  	[sflag:s31] =	ssyncadd.s32 $0xFFFFFF80  }
0x100: {  	[spmem:s3] =	stream.indirect.scatter.add.f32 [tilespmem:s29], [sflag:$0x3], $0x1, s7, s22, $0xb8;
	[tilespmem:$0x1EB80] =	vst v63  }
0x101: {  	_ =	swait.ge [sflag:s18], $0x80  }
0x102: {  	[sflag:s18] =	ssyncset.done $0x0  }
0x103: {  	[sflag:s18] =	ssyncadd.s32 $0xFFFFFF80  }
0x104: {  	[bflag:$0x0] =	sbarrier.arrive $0xFFFF  }
0x105: {  	[hbm:s14], [sflag:s8] =	dma.local [spmem:s17], $0x2800  }
0x106: {  	s9 =	sadd.s32 $0x1, s9;
	_ =	swait.ge [sflag:s18], $0x2800  }
0x107: {  	s10 =	simm.s32 $0x20;
	p0 =	sne.s32 s9, s16;
	[sflag:s18] =	ssyncset.done $0x0  }
.Ltmp2:
0x108: {  	s12 =	simm.s32 $0x10;
	[sflag:s18] =	ssyncadd.s32 $0xFFFFD800;
	(pc) =	sbr.rel @p0 .LBB2_1-.Ltmp2, $4  }
0x109: {  	[hbm:s15@s10], [sflag:s8] =	dma.strided [spmem:s19@s12], $0x50, s30, $0x10   }
0x10a: {  	_ =	swait.ge [sflag:s18], $0x50  }
0x10b: {  	[sflag:s18] =	ssyncset.done $0x0  }
0x10c: {  	[sflag:s18] =	ssyncadd.s32 $0xFFFFFFB0  }
0x10d: {  	_ =	sfence.sel $0x180000  }
0x10e: {  	[bflag:$0x0] =	sbarrier.arrive $0xFFFF  }
0x10f: {  	_ =	strace $0x9000004A  }
0x110: {  	s0 =	stileid.u32;
	[bflag:$0x2] =	sbarrier.arrive $0xFFFF  }
0x111: {  	p0 =	sne.s32 s0, $0x0;
	s0 =	rddreg [dreg:$0x3]  }
0x112: {  	s0 =	sadd.s32 @!p0 $0x100000, s0  }
0x113: {  	[sflag:s0] =	ssyncadd.tile.s32 @!p0 $0x1;
	_ =	shalt  }
.Lfunc_end2:
_tile_overlayer_lowered:
.L_overlay_start_2:
0x114: {  	(tag) =	ssettag $0x2  }
0x115: {  	s0 =	rddreg [dreg:$0x0];
	s2 =	stileid.u32  }
0x116: {  	s1 =	rddreg [dreg:$0x1];
	p0 =	sne.s32 s2, $0x0  }
0x117: {  	s3 =	rddreg [dreg:$0x2];
	[bflag:$0x3] =	sbarrier.arrive $0xFFFF;
	s2 =	simm.s32 @!p0 $0x1C03  }
0x118: {  	[timem:s3], [sflag:s2] =	dma.local @!p0 [hbm:s0], s1  }
0x119: {  	s0 =	simm.s32 @!p0 $0x3  }
0x11a: {  	_ =	swait.ge @!p0 [sflag:s0], s1  }
0x11b: {  	s1 =	ssub.s32 @!p0 $0x0, s1;
	[sflag:s0] =	ssyncset.done @!p0 $0x0  }
0x11c: {  	[sflag:s0] =	ssyncadd.s32 @!p0 s1  }
0x11d: {  	[bflag:$0x3] =	sbarrier.arrive $0xFFFF  }
0x11e: {  	_ =	shalt  }

// kernel: kernel.7.cloned.1.call-start
scs
__scs_entry_jumppad:
0x0: {  	(pc) =	sbr.rel $0x88, $3  }
0x1: {  	(tag) =	ssettag $0x0;
	lr =	simm.s32 $0x1  }
0x2: {  	[smem:$0x3F9B] =	sst lr;
	_ =	strace $0xD0000000  }
0x3: {  	_ = 	snop  }
0x4: {  	_ = 	snop  }
0x5: {  	_ = 	snop  }
0x6: {  	_ = 	snop  }
0x7: {  	_ = 	snop  }
__scs_overlays_trampoline_lowered:
0x8: {  	[smem:$0x3FAA] =	sst s0  }
0x9: {  	[smem:$0x3FAB] =	sst s1  }
0xa: {  	[smem:$0x3FAC] =	sst s2  }
0xb: {  	[smem:$0x3FAD] =	sst s3  }
0xc: {  	[smem:$0x3FAE] =	sst s4  }
0xd: {  	[smem:$0x3FAF] =	sst s5  }
0xe: {  	[smem:$0x3FB0] =	sst s6  }
0xf: {  	[smem:$0x3FB1] =	sst s7  }
0x10: {  	[smem:$0x3FB2] =	sst s8  }
0x11: {  	[smem:$0x3FB3] =	sst s9;
	s0 =	simm.s32 @!p0 $0x0  }
0x12: {  	s1 =	sld [smem:$0x3F99];
	s0 =	simm.s32 @p0 $0x1  }
0x13: {  	[smem:$0x3FB4] =	sst s0;
	s0 =	simm.s32 @!p1 $0x0  }
0x14: {  	s2 =	sld [smem:$0x3F98];
	s0 =	simm.s32 @p1 $0x1  }
0x15: {  	[smem:$0x3FB5] =	sst s0;
	s0 =	simm.s32 @!p2 $0x0  }
0x16: {  	s3 =	sld [smem:$0x3FDB];
	s0 =	simm.s32 @p2 $0x1  }
0x17: {  	s4 =	simm.s32 $0x1BF5;
	[smem:$0x3FB7] =	sst s0  }
0x18: {  	s0 =	sld [smem:$0x3F9A];
	_ =	swait.ge [sflag:s4], $0x0  }
0x19: {  	s7 =	sld [smem:$0x3F9B]  }
0x1a: {  	s8 =	sadd.s32 $0xFFFFE003, lr  }
0x1b: {  	s9 =	sadd.s32 $0xFFFFFEF7, lr;
	s5 =	simm.s32 $0xFFFFFFFF;
	p2 =	slt.u32 s8, $0xFFFFF086  }
0x1c: {  	p1 =	slt.u32 s9, $0xF7A;
	s5 =	simm.s32 @!p2 $0x0  }
0x1d: {  	s5 =	simm.s32 @p1 $0x1;
	p0 =	seq.s32 s7, s2  }
0x1e: {  	s7 =	smul.u32 @!p0 $0xF7A, s2;
	p2 =	seq.s32 @!p0 s5, $0x0  }
0x1f: {  	s9 =	smul.u32 $0xF7A, s1;
	s8 =	simm.s32 @!p0 $0x1BF5;
	p2 =	por !p2, p0  }
0x20: {  	[sflag:s8] =	ssyncset.s32 @!p0 $0xFFFFF086;
	s6 =	sadd.s32 @!p0 s3, s7;
	s7 =	simm.s32 @!p0 $0x108  }
0x21: {  	s3 =	sadd.s32 s3, s9;
	s6 =	sadd.s32 @!p0 $0x88, s6;
	s7 =	simm.s32 @p2 $0x1082  }
0x22: {  	[simem:s7], [sflag:s8] =	dma.local @!p0 [hbm:s6], $0xF7A  }
0x23: {  	s9 =	sor.u32 $0xD0000000, s2;
	s6 =	simm.s32 $0x108;
	_ =	swait.ge @!p0 [sflag:s8], $0x0  }
0x24: {  	s3 =	sadd.s32 $0x88, s3;
	s6 =	simm.s32 @!p1 $0x1082;
	[sflag:s4] =	ssyncset.s32 $0xFFFFF086  }
0x25: {  	[simem:s6], [sflag:s4] =	dma.local [hbm:s3], $0xF7A  }
0x26: {  	[smem:$0x3F9B] =	sst s1;
	(tag) =	ssettag s2;
	_ =	strace s9  }
0x27: {  	s1 =	sld [smem:$0x3FAB]  }
0x28: {  	s2 =	sld [smem:$0x3FAC]  }
0x29: {  	s4 =	sld [smem:$0x3FAE]  }
0x2a: {  	p0 =	seq.s32 s5, $0x0;
	s5 =	sld [smem:$0x3FAF]  }
0x2b: {  	s6 =	sld [smem:$0x3FB0]  }
0x2c: {  	s7 =	sld [smem:$0x3FB1]  }
0x2d: {  	s3 =	simm.s32 $0x108;
	s8 =	sld [smem:$0x3FB2]  }
0x2e: {  	s3 =	simm.s32 @!p0 $0x1082;
	s9 =	sld [smem:$0x3FB3]  }
0x2f: {  	lr =	sadd.s32 s0, s3;
	s0 =	sld [smem:$0x3FAA]  }
0x30: {  	s3 =	sld [smem:$0x3FAD]  }
0x31: {  	[smem:$0x3FB6] =	sst s10  }
0x32: {  	s10 =	sld [smem:$0x3FB4];
	_ =	sdelay $0x3  }
0x33: {  	p0 =	seq.s32 s10, $0x1;
	s10 =	sld [smem:$0x3FB6];
	_ =	sdelay $0x3  }
0x34: {  	[smem:$0x3FB6] =	sst s10  }
0x35: {  	s10 =	sld [smem:$0x3FB5];
	_ =	sdelay $0x3  }
0x36: {  	p1 =	seq.s32 s10, $0x1;
	s10 =	sld [smem:$0x3FB6];
	_ =	sdelay $0x3  }
0x37: {  	[smem:$0x3FB6] =	sst s10  }
0x38: {  	s10 =	sld [smem:$0x3FB7]  }
0x39: {  	_ = 	snop;
	(pc) =	sbr.ind lr, $3  }
0x3a: {  	_ = 	snop  }
0x3b: {  	_ = 	snop  }
0x3c: {  	p2 =	seq.s32 s10, $0x1;
	s10 =	sld [smem:$0x3FB6]  }
0x3d: {  	_ =	shalt  }
0x3e: {  	_ =	shalt  }
0x3f: {  	_ =	shalt  }
0x40: {  	_ =	shalt  }
0x41: {  	_ =	shalt  }
0x42: {  	_ =	shalt  }
0x43: {  	_ =	shalt  }
0x44: {  	_ =	shalt  }
0x45: {  	_ =	shalt  }
0x46: {  	_ =	shalt  }
0x47: {  	_ =	shalt  }
0x48: {  	_ =	shalt  }
0x49: {  	_ =	shalt  }
0x4a: {  	_ =	shalt  }
0x4b: {  	_ =	shalt  }
0x4c: {  	_ =	shalt  }
0x4d: {  	_ =	shalt  }
0x4e: {  	_ =	shalt  }
0x4f: {  	_ =	shalt  }
0x50: {  	_ =	shalt  }
0x51: {  	_ =	shalt  }
0x52: {  	_ =	shalt  }
0x53: {  	_ =	shalt  }
0x54: {  	_ =	shalt  }
0x55: {  	_ =	shalt  }
0x56: {  	_ =	shalt  }
0x57: {  	_ =	shalt  }
0x58: {  	_ =	shalt  }
0x59: {  	_ =	shalt  }
0x5a: {  	_ =	shalt  }
0x5b: {  	_ =	shalt  }
0x5c: {  	_ =	shalt  }
0x5d: {  	_ =	shalt  }
0x5e: {  	_ =	shalt  }
0x5f: {  	_ =	shalt  }
0x60: {  	_ =	shalt  }
0x61: {  	_ =	shalt  }
0x62: {  	_ =	shalt  }
0x63: {  	_ =	shalt  }
0x64: {  	_ =	shalt  }
0x65: {  	_ =	shalt  }
0x66: {  	_ =	shalt  }
0x67: {  	_ =	shalt  }
0x68: {  	_ =	shalt  }
0x69: {  	_ =	shalt  }
0x6a: {  	_ =	shalt  }
0x6b: {  	_ =	shalt  }
0x6c: {  	_ =	shalt  }
0x6d: {  	_ =	shalt  }
0x6e: {  	_ =	shalt  }
0x6f: {  	_ =	shalt  }
0x70: {  	_ =	shalt  }
0x71: {  	_ =	shalt  }
0x72: {  	_ =	shalt  }
0x73: {  	_ =	shalt  }
0x74: {  	_ =	shalt  }
0x75: {  	_ =	shalt  }
0x76: {  	_ =	shalt  }
0x77: {  	_ =	shalt  }
0x78: {  	_ =	shalt  }
0x79: {  	_ =	shalt  }
0x7a: {  	_ =	shalt  }
0x7b: {  	_ =	shalt  }
0x7c: {  	_ =	shalt  }
0x7d: {  	_ =	shalt  }
0x7e: {  	_ =	shalt  }
0x7f: {  	_ =	shalt  }
0x80: {  	_ =	shalt  }
0x81: {  	_ =	shalt  }
0x82: {  	_ =	shalt  }
0x83: {  	_ =	shalt  }
0x84: {  	_ =	shalt  }
0x85: {  	_ =	shalt  }
0x86: {  	_ =	shalt  }
0x87: {  	_ =	shalt  }
.Lfunc_end0:
.L_simem_size_0:
called_computation_lowered:
.L_overlay_start_0:
0x88: {  	s2 =	sld [smem:$0x3FD9]  }
0x89: {  	s3 =	sld [smem:$0x3FFE];
	_ =	sdelay $0x1  }
0x8a: {  	s1 =	srdreg.scid  }
0x8b: {  	s0 =	sand.u32 $0x1, s1  }
0x8c: {  	s16 =	sshll.u32 s0, $0xA;
	s2 =	sadd.s32 s3, s2  }
0x8d: {  	s2 =	sadd.s32 s2, s16  }
0x8e: {  	[smem:$0x3FC2] =	sst s2  }
0x8f: {  	_ = 	snop  }
0x90: {  	(tm) =	ssettm $0x1  }
0x91: {  	s17 =	sld [smem:$0x3FFB];
	_ =	sdelay $0x3  }
0x92: {  	_ =	strace s17  }
0x93: {  	s2 =	sld [smem:$0x3FFC];
	_ =	sdelay $0x3  }
0x94: {  	_ =	strace s2  }
0x95: {  	s2 =	sld [smem:$0x3FFD];
	_ =	sdelay $0x3  }
0x96: {  	_ =	strace s2  }
0x97: {  	_ =	strace $0x8FFFFFFF  }
0x98: {  	s18 =	sld [smem:$0x3FDB];
	_ =	sdelay $0x1  }
0x99: {  	s19 =	simm.s32 $_scs_section_size  }
0x9a: {  	s4 =	simm.s32 $_size__tile_overlayer_lowered;
	s5 =	simm.s32 $_tile_overlayer_lowered  }
0x9b: {  	s22 =	simm.s32 $0x1BFF;
	s21 =	sshll.u32 s5, $0x1;
	s2 =	sadd.s32 s19, s18  }
0x9c: {  	s6 =	simm.s32 $0x0;
	s20 =	sshll.u32 s4, $0x1;
	s4 =	sadd.s32 s21, s2  }
0x9d: {  	[timem:s6], [sflag:s22] =	dma.local [hbm:s4], s20  }
0x9e: {  	_ =	swait.ge [sflag:s22], s20  }
0x9f: {  	s3 =	ssub.s32 $0x0, s20;
	[sflag:s22] =	ssyncset.done $0x0  }
0xa0: {  	[sflag:s22] =	ssyncadd.s32 s3;
	_ =	sdelay $0x1  }
0xa1: {  	s23 =	simm.s32 $0x1B8B  }
0xa2: {  	_ =	swait.ge [sflag:s23], $0x1  }
0xa3: {  	[sflag:s23] =	ssyncset.done $0x0  }
0xa4: {  	s25 =	simm.s32 $0x1B8E;
	s24 =	sld [smem:$0x3FFE];
	[sflag:s23] =	ssyncadd.s32 $0xFFFFFFFF  }
0xa5: {  	s26 =	simm.s32 $execute0_lowered;
	[smem:$0x3FD2] =	sst s25  }
0xa6: {  	s4 =	sshll.u32 s26, $0x1;
	_ =	strace $0x80000046;
	[dreg:$0x1] =	wrdreg $0xFFFFFFFF  }
0xa7: {  	s28 =	simm.s32 $_size_execute0_lowered;
	s2 =	sadd.s32 s2, s4;
	[dreg:$0x0] =	wrdreg $0x0  }
0xa8: {  	s4 =	sshll.u32 s28, $0x1;
	[dreg:$0x2] =	wrdreg s2  }
0xa9: {  	[dreg:$0x3] =	wrdreg s4  }
0xaa: {  	[dreg:$0x4] =	wrdreg $0xC0  }
0xab: {  	_ =	task [dreg:s6], $0x5FFFF  }
0xac: {  	[dreg:$0x1] =	wrdreg $0xFFFFFFFF  }
0xad: {  	[dreg:$0x0] =	wrdreg $0x60  }
0xae: {  	[dreg:$0x2] =	wrdreg s24  }
0xaf: {  	[dreg:$0x3] =	wrdreg $0x0  }
0xb0: {  	[dreg:$0x4] =	wrdreg $0x9  }
0xb1: {  	_ =	task.clear_ibuf [dreg:s6], $0x5FFFF;
	_ =	strace $0x90000046  }
0xb2: {  	s29 =	simm.s32 $0x9;
	_ =	strace $0x80000048  }
0xb3: {  	_ =	swait.ge [sflag:s29], $0x1  }
0xb4: {  	[sflag:s29] =	ssyncadd.s32 $0xFFFFFFFF  }
0xb5: {  	_ =	strace $0x90000048  }
0xb6: {  	_ =	sfence  }
0xb7: {  	s30 =	sld [smem:$0x0];
	_ =	sdelay $0x2  }
0xb8: {  	s31 =	sshll.u32 s1, $0xD;
	s1 =	sshrl.u32 s1, $0x2  }
0xb9: {  	s3 =	sand.u32 $0x4000, s31;
	s1 =	sadd.s32 s1, s30  }
0xba: {  	s0 =	sor.u32 s3, s0;
	s1 =	sshll.u32 s1, $0x11  }
0xbb: {  	s0 =	sor.u32 s1, s0  }
0xbc: {  	s0 =	sadd.s32 $0x8F2B, s0  }
0xbd: {  	[sflag:s0] =	ssyncadd.remote.s32 $0x1  }
0xbe: {  	_ =	sfence.sel $0xFFFF  }
0xbf: {  	[dreg:$0x0] =	wrdreg $0xFFFFFFFF;
	(pc) =	sbr.abs _section_cstart, $3  }
0xc0: {  	[dreg:$0x1] =	wrdreg $0xFFFFFFFF  }
0xc1: {  	_ =	task.clear_ibuf [dreg:s6], $0x2FFFF;
	_ =	strace $0x9FFFFFFF  }
0xc2: {  	(tm) =	ssettm $0x7FFFFFFF  }
0xc3: {  	_ =	shalt  }
tec
execute0_lowered:
.L_overlay_start_1:
0x0: {  	(tag) =	ssettag $0x1  }
0x1: {  	s4 =	rddreg [dreg:$0x0]  }
0x2: {  	s0 =	srdreg.scid;
	s2 =	rddreg [dreg:$0x1]  }
0x3: {  	s1 =	stileid.u32;
	s3 =	simm.s32 $0x0;
	s11 =	simm.s32 $0x16600  }
0x4: {  	s12 =	simm.s32 $0x80;
	s13 =	simm.s32 $0x5280;
	s14 =	simm.s32 $0x1  }
0x5: {  	s5 =	sand.u32 $0x1, s0;
	s0 =	rddreg [dreg:$0x2];
	s7 =	smul.u32 $0xA00, s1  }
0x6: {  	s15 =	simm.s32 $0x0;
	[smem:$0x7FF] =	sst s3;
	s8 =	smul.u32 $0x280, s1  }
0x7: {  	s31 =	sshll.u32 s1, $0x6;
	s6 =	smul.u32 $0xA000, s5;
	_ =	strace $0x80000047  }
0x8: {  	s9 =	ssub.s32 $0x2, s5;
	p0 =	seq.s32 s5, $0x1;
	s5 =	sor.u32 $0x1C02, s31  }
0x9: {  	s26 =	sshrl.u32 s8, $0x3;
	s28 =	sshrl.u32 s9, $0x1;
	s30 =	sadd.s32 s8, s2  }
0xa: {  	s11 =	simm.s32 @!p0 $0x16000;
	s6 =	sadd.s32 s7, s6;
	s10 =	sadd.s32 s26, s4  }
0xb: {  	s29 =	ssub.s32 s9, s28;
	s9 =	sshrl.u32 s30, $0x3;
	s6 =	sadd.s32 s6, s4  }
0xc: {  	s4 =	sadd.s32 $0x15A00, s10;
	s7 =	smax.u32 s29, $0x1;
	s8 =	sadd.s32 s11, s10  }
0xd: {  	v0 =	vimm.f32 $1.000000000e+00;
	s10 =	simm.s32 $0x2;
	s11 =	simm.s32 $0x280;
	s6 =	sadd.s32 $0x1A00, s6  }
.LBB2_1:
0xe: {  	[tilespmem:$0x5280] =	vst v0  }
0xf: {  	[tilespmem:$0x5290] =	vst v0  }
0x10: {  	[tilespmem:$0x52A0] =	vst v0  }
0x11: {  	[tilespmem:$0x52B0] =	vst v0  }
0x12: {  	[tilespmem:$0x52C0] =	vst v0  }
0x13: {  	[tilespmem:$0x52D0] =	vst v0  }
0x14: {  	[tilespmem:$0x52E0] =	vst v0  }
0x15: {  	[tilespmem:$0x52F0] =	vst v0  }
0x16: {  	[spmem:s9], [sflag:s5] =	dma.local [hbm:s4], $0x50  }
0x17: {  	_ =	swait.ge [sflag:s10], $0x50  }
0x18: {  	[sflag:s10] =	ssyncset.done $0x0  }
0x19: {  	[sflag:s10] =	ssyncadd.s32 $0xFFFFFFB0  }
0x1a: {  	[tilespmem:s11], [sflag:$0x2] =	stream.linear.gather [hbm4b:s6+s3], $0x5000, $0x38;
	[tilespmem:$0x5300] =	vst v63  }
0x1b: {  	_ =	swait.ge [sflag:s10], $0x5000  }
0x1c: {  	[sflag:s10] =	ssyncset.done $0x0  }
0x1d: {  	[sflag:s10] =	ssyncadd.s32 $0xFFFFB000  }
0x1e: {  	s16 =	simm.s32 $0x280;
	[bflag:$0x0] =	sbarrier.arrive $0xFFFF  }
0x1f: {  	[spmem:s2] =	stream.indirect.scatter.add.f32 [tilespmem:s13], [sflag:$0x1], $0x1, s16, s12, $0xb8;
	[tilespmem:$0x5300] =	vst v63  }
0x20: {  	s24 =	simm.s32 $0x300  }
0x21: {  	[spmem:s2] =	stream.indirect.scatter.add.f32 [tilespmem:s13], [sflag:$0x1], $0x1, s24, s12, $0xb8;
	[tilespmem:$0x5300] =	vst v63  }
0x22: {  	s25 =	simm.s32 $0x380  }
0x23: {  	[spmem:s2] =	stream.indirect.scatter.add.f32 [tilespmem:s13], [sflag:$0x1], $0x1, s25, s12, $0xb8;
	[tilespmem:$0x5300] =	vst v63  }
0x24: {  	s26 =	simm.s32 $0x400  }
0x25: {  	[spmem:s2] =	stream.indirect.scatter.add.f32 [tilespmem:s13], [sflag:$0x1], $0x1, s26, s12, $0xb8;
	[tilespmem:$0x5300] =	vst v63  }
0x26: {  	s28 =	simm.s32 $0x480  }
0x27: {  	[spmem:s2] =	stream.indirect.scatter.add.f32 [tilespmem:s13], [sflag:$0x1], $0x1, s28, s12, $0xb8;
	[tilespmem:$0x5300] =	vst v63  }
0x28: {  	s29 =	simm.s32 $0x500  }
0x29: {  	[spmem:s2] =	stream.indirect.scatter.add.f32 [tilespmem:s13], [sflag:$0x1], $0x1, s29, s12, $0xb8;
	[tilespmem:$0x5300] =	vst v63  }
0x2a: {  	s30 =	simm.s32 $0x580  }
0x2b: {  	[spmem:s2] =	stream.indirect.scatter.add.f32 [tilespmem:s13], [sflag:$0x1], $0x1, s30, s12, $0xb8;
	[tilespmem:$0x5300] =	vst v63  }
0x2c: {  	s31 =	simm.s32 $0x600  }
0x2d: {  	[spmem:s2] =	stream.indirect.scatter.add.f32 [tilespmem:s13], [sflag:$0x1], $0x1, s31, s12, $0xb8;
	[tilespmem:$0x5300] =	vst v63  }
0x2e: {  	_ =	swait.ge [sflag:s14], $0x80  }
0x2f: {  	[sflag:s14] =	ssyncset.done $0x0  }
0x30: {  	[sflag:s14] =	ssyncadd.s32 $0xFFFFFF80  }
0x31: {  	_ =	swait.ge [sflag:s14], $0x80  }
0x32: {  	[sflag:s14] =	ssyncset.done $0x0  }
0x33: {  	[sflag:s14] =	ssyncadd.s32 $0xFFFFFF80  }
0x34: {  	_ =	swait.ge [sflag:s14], $0x80  }
0x35: {  	[sflag:s14] =	ssyncset.done $0x0  }
0x36: {  	[sflag:s14] =	ssyncadd.s32 $0xFFFFFF80  }
0x37: {  	_ =	swait.ge [sflag:s14], $0x80  }
0x38: {  	[sflag:s14] =	ssyncset.done $0x0  }
0x39: {  	[sflag:s14] =	ssyncadd.s32 $0xFFFFFF80  }
0x3a: {  	_ =	swait.ge [sflag:s14], $0x80  }
0x3b: {  	[sflag:s14] =	ssyncset.done $0x0  }
0x3c: {  	[sflag:s14] =	ssyncadd.s32 $0xFFFFFF80  }
0x3d: {  	_ =	swait.ge [sflag:s14], $0x80  }
0x3e: {  	[sflag:s14] =	ssyncset.done $0x0  }
0x3f: {  	[sflag:s14] =	ssyncadd.s32 $0xFFFFFF80  }
0x40: {  	_ =	swait.ge [sflag:s14], $0x80  }
0x41: {  	[sflag:s14] =	ssyncset.done $0x0  }
0x42: {  	[sflag:s14] =	ssyncadd.s32 $0xFFFFFF80  }
0x43: {  	_ =	swait.ge [sflag:s14], $0x80  }
0x44: {  	s19 =	simm.s32 $0x2000;
	s18 =	simm.s32 $0x400;
	[sflag:s14] =	ssyncset.done $0x0  }
.LBB2_2:
0x45: {  	s20 =	sadd.s32 $0x280, s18  }
0x46: {  	[sflag:s14] =	ssyncadd.s32 $0xFFFFFF80;
	s17 =	smov.u32 s19;
	s16 =	sadd.s32 $0x1000, s19  }
0x47: {  	[spmem:s2] =	stream.indirect.scatter.add.f32 [tilespmem:s13], [sflag:$0x1], $0x1, s20, s12, $0xb8;
	[tilespmem:$0x5300] =	vst v63  }
0x48: {  	p0 =	sne.s32 s19, $0x13000;
	s19 =	sadd.s32 $0x300, s18  }
0x49: {  	[spmem:s2] =	stream.indirect.scatter.add.f32 [tilespmem:s13], [sflag:$0x1], $0x1, s19, s12, $0xb8;
	[tilespmem:$0x5300] =	vst v63  }
0x4a: {  	s19 =	sadd.s32 $0x380, s18  }
0x4b: {  	[spmem:s2] =	stream.indirect.scatter.add.f32 [tilespmem:s13], [sflag:$0x1], $0x1, s19, s12, $0xb8;
	[tilespmem:$0x5300] =	vst v63  }
0x4c: {  	s19 =	sadd.s32 $0x400, s18  }
0x4d: {  	[spmem:s2] =	stream.indirect.scatter.add.f32 [tilespmem:s13], [sflag:$0x1], $0x1, s19, s12, $0xb8;
	[tilespmem:$0x5300] =	vst v63  }
0x4e: {  	s19 =	sadd.s32 $0x480, s18  }
0x4f: {  	[spmem:s2] =	stream.indirect.scatter.add.f32 [tilespmem:s13], [sflag:$0x1], $0x1, s19, s12, $0xb8;
	[tilespmem:$0x5300] =	vst v63  }
0x50: {  	s19 =	sadd.s32 $0x500, s18  }
0x51: {  	[spmem:s2] =	stream.indirect.scatter.add.f32 [tilespmem:s13], [sflag:$0x1], $0x1, s19, s12, $0xb8;
	[tilespmem:$0x5300] =	vst v63  }
0x52: {  	s19 =	sadd.s32 $0x580, s18  }
0x53: {  	[spmem:s2] =	stream.indirect.scatter.add.f32 [tilespmem:s13], [sflag:$0x1], $0x1, s19, s12, $0xb8;
	[tilespmem:$0x5300] =	vst v63  }
0x54: {  	s18 =	sadd.s32 $0x600, s18  }
0x55: {  	[spmem:s2] =	stream.indirect.scatter.add.f32 [tilespmem:s13], [sflag:$0x1], $0x1, s18, s12, $0xb8;
	[tilespmem:$0x5300] =	vst v63  }
0x56: {  	_ =	swait.ge [sflag:s14], $0x80  }
0x57: {  	[sflag:s14] =	ssyncset.done $0x0  }
0x58: {  	[sflag:s14] =	ssyncadd.s32 $0xFFFFFF80  }
0x59: {  	_ =	swait.ge [sflag:s14], $0x80  }
0x5a: {  	[sflag:s14] =	ssyncset.done $0x0  }
0x5b: {  	[sflag:s14] =	ssyncadd.s32 $0xFFFFFF80  }
0x5c: {  	_ =	swait.ge [sflag:s14], $0x80  }
0x5d: {  	[sflag:s14] =	ssyncset.done $0x0  }
0x5e: {  	[sflag:s14] =	ssyncadd.s32 $0xFFFFFF80  }
0x5f: {  	_ =	swait.ge [sflag:s14], $0x80  }
0x60: {  	[sflag:s14] =	ssyncset.done $0x0  }
0x61: {  	[sflag:s14] =	ssyncadd.s32 $0xFFFFFF80  }
0x62: {  	_ =	swait.ge [sflag:s14], $0x80  }
0x63: {  	[sflag:s14] =	ssyncset.done $0x0  }
0x64: {  	[sflag:s14] =	ssyncadd.s32 $0xFFFFFF80  }
0x65: {  	_ =	swait.ge [sflag:s14], $0x80  }
0x66: {  	[sflag:s14] =	ssyncset.done $0x0  }
0x67: {  	[sflag:s14] =	ssyncadd.s32 $0xFFFFFF80  }
.Ltmp0:
0x68: {  	_ =	swait.ge [sflag:s14], $0x80;
	(pc) =	sbr.rel @p0 .LBB2_2-.Ltmp0, $4  }
0x69: {  	[sflag:s14] =	ssyncset.done $0x0  }
0x6a: {  	[sflag:s14] =	ssyncadd.s32 $0xFFFFFF80  }
0x6b: {  	_ =	swait.ge [sflag:s14], $0x80  }
0x6c: {  	s19 =	smov.u32 s16;
	s18 =	sshra.s32 s17, $0x2;
	[sflag:s14] =	ssyncset.done $0x0  }
0x6d: {  	s16 =	sadd.s32 $0x280, s18;
	[sflag:s14] =	ssyncadd.s32 $0xFFFFFF80  }
0x6e: {  	[spmem:s2] =	stream.indirect.scatter.add.f32 [tilespmem:s13], [sflag:$0x1], $0x1, s16, s12, $0xb8;
	[tilespmem:$0x5300] =	vst v63  }
0x6f: {  	s24 =	sadd.s32 $0x300, s18  }
0x70: {  	[spmem:s2] =	stream.indirect.scatter.add.f32 [tilespmem:s13], [sflag:$0x1], $0x1, s24, s12, $0xb8;
	[tilespmem:$0x5300] =	vst v63  }
0x71: {  	s25 =	sadd.s32 $0x380, s18  }
0x72: {  	[spmem:s2] =	stream.indirect.scatter.add.f32 [tilespmem:s13], [sflag:$0x1], $0x1, s25, s12, $0xb8;
	[tilespmem:$0x5300] =	vst v63  }
0x73: {  	s26 =	sadd.s32 $0x400, s18  }
0x74: {  	[spmem:s2] =	stream.indirect.scatter.add.f32 [tilespmem:s13], [sflag:$0x1], $0x1, s26, s12, $0xb8;
	[tilespmem:$0x5300] =	vst v63  }
0x75: {  	s28 =	sadd.s32 $0x480, s18  }
0x76: {  	[spmem:s2] =	stream.indirect.scatter.add.f32 [tilespmem:s13], [sflag:$0x1], $0x1, s28, s12, $0xb8;
	[tilespmem:$0x5300] =	vst v63  }
0x77: {  	s29 =	sadd.s32 $0x500, s18  }
0x78: {  	[spmem:s2] =	stream.indirect.scatter.add.f32 [tilespmem:s13], [sflag:$0x1], $0x1, s29, s12, $0xb8;
	[tilespmem:$0x5300] =	vst v63  }
0x79: {  	s30 =	sadd.s32 $0x580, s18  }
0x7a: {  	[spmem:s2] =	stream.indirect.scatter.add.f32 [tilespmem:s13], [sflag:$0x1], $0x1, s30, s12, $0xb8;
	[tilespmem:$0x5300] =	vst v63  }
0x7b: {  	s31 =	sadd.s32 $0x600, s18  }
0x7c: {  	[spmem:s2] =	stream.indirect.scatter.add.f32 [tilespmem:s13], [sflag:$0x1], $0x1, s31, s12, $0xb8;
	[tilespmem:$0x5300] =	vst v63  }
0x7d: {  	_ =	swait.ge [sflag:s14], $0x80  }
0x7e: {  	[sflag:s14] =	ssyncset.done $0x0  }
0x7f: {  	[sflag:s14] =	ssyncadd.s32 $0xFFFFFF80  }
0x80: {  	_ =	swait.ge [sflag:s14], $0x80  }
0x81: {  	[sflag:s14] =	ssyncset.done $0x0  }
0x82: {  	[sflag:s14] =	ssyncadd.s32 $0xFFFFFF80  }
0x83: {  	_ =	swait.ge [sflag:s14], $0x80  }
0x84: {  	[sflag:s14] =	ssyncset.done $0x0  }
0x85: {  	[sflag:s14] =	ssyncadd.s32 $0xFFFFFF80  }
0x86: {  	_ =	swait.ge [sflag:s14], $0x80  }
0x87: {  	[sflag:s14] =	ssyncset.done $0x0  }
0x88: {  	[sflag:s14] =	ssyncadd.s32 $0xFFFFFF80  }
0x89: {  	_ =	swait.ge [sflag:s14], $0x80  }
0x8a: {  	[sflag:s14] =	ssyncset.done $0x0  }
0x8b: {  	[sflag:s14] =	ssyncadd.s32 $0xFFFFFF80  }
0x8c: {  	_ =	swait.ge [sflag:s14], $0x80  }
0x8d: {  	[sflag:s14] =	ssyncset.done $0x0  }
0x8e: {  	[sflag:s14] =	ssyncadd.s32 $0xFFFFFF80  }
0x8f: {  	_ =	swait.ge [sflag:s14], $0x80  }
0x90: {  	[sflag:s14] =	ssyncset.done $0x0  }
0x91: {  	[sflag:s14] =	ssyncadd.s32 $0xFFFFFF80  }
0x92: {  	_ =	swait.ge [sflag:s14], $0x80  }
0x93: {  	s15 =	sadd.s32 $0x1, s15;
	[sflag:s14] =	ssyncset.done $0x0  }
0x94: {  	p0 =	sne.s32 s15, s7;
	[sflag:s14] =	ssyncadd.s32 $0xFFFFFF80  }
.Ltmp1:
0x95: {  	[bflag:$0x0] =	sbarrier.arrive $0xFFFF;
	(pc) =	sbr.rel @p0 .LBB2_1-.Ltmp1, $4  }
0x96: {  	[hbm:s8], [sflag:s5] =	dma.local [spmem:s9], $0x50  }
0x97: {  	_ =	swait.ge [sflag:s10], $0x50  }
0x98: {  	[sflag:s10] =	ssyncset.done $0x0  }
0x99: {  	[sflag:s10] =	ssyncadd.s32 $0xFFFFFFB0  }
0x9a: {  	_ =	sfence.sel $0x180000  }
0x9b: {  	[bflag:$0x0] =	sbarrier.arrive $0xFFFF  }
0x9c: {  	p0 =	sne.s32 s1, $0x0;
	_ =	strace $0x90000047  }
0x9d: {  	s0 =	sadd.s32 @!p0 $0x100000, s0;
	[bflag:$0x2] =	sbarrier.arrive $0xFFFF  }
0x9e: {  	[sflag:s0] =	ssyncadd.tile.s32 @!p0 $0x1;
	_ =	shalt  }
.Lfunc_end2:
_tile_overlayer_lowered:
.L_overlay_start_2:
0x9f: {  	(tag) =	ssettag $0x2  }
0xa0: {  	s0 =	rddreg [dreg:$0x0];
	s2 =	stileid.u32  }
0xa1: {  	s1 =	rddreg [dreg:$0x1];
	p0 =	sne.s32 s2, $0x0  }
0xa2: {  	s3 =	rddreg [dreg:$0x2];
	[bflag:$0x3] =	sbarrier.arrive $0xFFFF;
	s2 =	simm.s32 @!p0 $0x1C02  }
0xa3: {  	[timem:s3], [sflag:s2] =	dma.local @!p0 [hbm:s0], s1  }
0xa4: {  	s0 =	simm.s32 @!p0 $0x2  }
0xa5: {  	_ =	swait.ge @!p0 [sflag:s0], s1  }
0xa6: {  	s1 =	ssub.s32 @!p0 $0x0, s1;
	[sflag:s0] =	ssyncset.done @!p0 $0x0  }
0xa7: {  	[sflag:s0] =	ssyncadd.s32 @!p0 s1  }
0xa8: {  	[bflag:$0x3] =	sbarrier.arrive $0xFFFF  }
0xa9: {  	_ =	shalt  }

</sc_bundles>
